<compile_context>
chip_gen: v7x
topology: tpu7x:2x2x1
jax: 0.10.2.dev20260603
libtpu: 0.0.44.dev20260713+nightly
codegen_flags: <defaults>
</compile_context>

<pallas_src>
import jax
import jax.numpy as jnp
from jax import lax
from jax.experimental import pallas as pl
from jax.experimental.pallas import tpu as pltpu
from jax.experimental.pallas import tpu_sc as plsc

B = 4096
S = 200
D = 64
H = 256
C = 2

NC = 2
NS = 16
NW = NC * NS
BPW = B // NW

_S0 = 128
_S1 = S - _S0


def _sc_pool_body(x_hbm, emb_hbm, out_hbm, idx_v, rows0, rows1, rows2, rows3,
                  rows4, rows5, out_v, sem0, sem1, sem2, sem3, sem4, sem5):
    wid = lax.axis_index("s") * NC + lax.axis_index("c")
    base = wid * BPW

    pltpu.sync_copy(x_hbm.at[pl.ds(base, BPW)], idx_v)

    def fire(b, buf, sem):
        pltpu.async_copy(emb_hbm.at[idx_v.at[b, pl.ds(0, _S0)]],
                         buf.at[pl.ds(0, _S0)], sem)
        pltpu.async_copy(emb_hbm.at[idx_v.at[b, pl.ds(_S0, _S1)]],
                         buf.at[pl.ds(_S0, _S1)], sem)

    def drain(b, buf, sem):
        pltpu.make_async_copy(emb_hbm.at[idx_v.at[b, pl.ds(0, _S0)]],
                              buf.at[pl.ds(0, _S0)], sem).wait()
        pltpu.make_async_copy(emb_hbm.at[idx_v.at[b, pl.ds(_S0, _S1)]],
                              buf.at[pl.ds(_S0, _S1)], sem).wait()

    def process(b, buf, sem):
        drain(b, buf, sem)
        zero = jnp.zeros((16,), jnp.float32)

        def acc_body(j, accs):
            return tuple(a + buf[j, pl.ds(16 * k, 16)] for k, a in enumerate(accs))

        a0, a1, a2, a3 = lax.fori_loop(0, S, acc_body, (zero, zero, zero, zero))

        out_v[b, pl.ds(0, 16)] = a0
        out_v[b, pl.ds(16, 16)] = a1
        out_v[b, pl.ds(32, 16)] = a2
        out_v[b, pl.ds(48, 16)] = a3

    bufs = ((rows0, sem0), (rows1, sem1), (rows2, sem2), (rows3, sem3),
            (rows4, sem4), (rows5, sem5))
    nb = len(bufs)
    for p, (buf, sem) in enumerate(bufs):
        fire(p, buf, sem)

    def loop_body(g, carry):
        b = nb * g
        for p, (buf, sem) in enumerate(bufs):
            process(b + p, buf, sem)

            @pl.when(b + p + nb < BPW)
            def _():
                fire(b + p + nb, buf, sem)

        return carry

    lax.fori_loop(0, BPW // nb, loop_body, jnp.int32(0))
    process(126, rows0, sem0)
    process(127, rows1, sem1)

    pltpu.sync_copy(out_v, out_hbm.at[pl.ds(base, BPW)])


@jax.jit
def _sc_pool(x, emb):
    mesh = plsc.VectorSubcoreMesh(core_axis_name="c", subcore_axis_name="s")
    return pl.kernel(
        _sc_pool_body,
        out_type=jax.ShapeDtypeStruct((B, D), jnp.float32),
        mesh=mesh,
        scratch_types=[
            pltpu.VMEM((BPW, S), jnp.int32),
            pltpu.VMEM((S, D), jnp.float32),
            pltpu.VMEM((S, D), jnp.float32),
            pltpu.VMEM((S, D), jnp.float32),
            pltpu.VMEM((S, D), jnp.float32),
            pltpu.VMEM((S, D), jnp.float32),
            pltpu.VMEM((S, D), jnp.float32),
            pltpu.VMEM((BPW, D), jnp.float32),
            pltpu.SemaphoreType.DMA,
            pltpu.SemaphoreType.DMA,
            pltpu.SemaphoreType.DMA,
            pltpu.SemaphoreType.DMA,
            pltpu.SemaphoreType.DMA,
            pltpu.SemaphoreType.DMA,
        ],
        compiler_params=pltpu.CompilerParams(use_tc_tiling_on_sc=False),
    )(x, emb)


def _mlp_body(x_ref, summed_ref, W1_ref, b1_ref, W2_ref, b2_ref, out_ref):
    denom = jnp.sum((x_ref[...] != 0).astype(jnp.float32), axis=1, keepdims=True)
    avg = summed_ref[...] / jnp.maximum(denom, 1.0)
    h = jnp.dot(avg, W1_ref[...], preferred_element_type=jnp.float32)
    h = jnp.maximum(h + b1_ref[...], 0.0)
    logits = jnp.dot(h, W2_ref[...], preferred_element_type=jnp.float32)
    logits = logits + b2_ref[...]
    m = jnp.max(logits, axis=1, keepdims=True)
    s = logits - m
    lse = jnp.log(jnp.sum(jnp.exp(s), axis=1, keepdims=True))
    out_ref[...] = s - lse


@jax.jit
def _tc_mlp(x, summed, W1, b1, W2, b2):
    return pl.pallas_call(
        _mlp_body,
        out_shape=jax.ShapeDtypeStruct((B, C), jnp.float32),
    )(x, summed, W1, b1.reshape(1, H), W2, b2.reshape(1, C))


def kernel(x, emb, W1, b1, W2, b2):
    summed = _sc_pool(x, emb)
    return _tc_mlp(x, summed, W1, b1, W2, b2)

# --- scband reference (transcript-rebuilt; emitter-appended) ---
"""Pipeline reference for scband-subword-dan-64768106824232 (READ-ONLY COPY).

The authoritative reference and input builder live on the scoring server;
editing this copy changes nothing except your own understanding.
"""

import jax, jax.numpy as jnp
import numpy as np

VOCAB = 1000000
EMBED = 64
HIDDEN = 256
NUM_CLASSES = 2
BATCH = 4096
SEQ = 200


def setup_inputs(seed: int = 0) -> dict:
    key = jax.random.key(seed)
    k1, k2, k3, k4 = jax.random.split(key, 4)
    x = jax.random.randint(k1, (BATCH, SEQ), 0, VOCAB, dtype=jnp.int32)
    emb = jax.random.normal(k2, (VOCAB, EMBED), dtype=jnp.float32) * 0.02
    emb = emb.at[0].set(0.0)  # padding_idx=0
    W1 = jax.random.normal(k3, (EMBED, HIDDEN), dtype=jnp.float32) * (1.0 / np.sqrt(EMBED))
    b1 = jnp.zeros((HIDDEN,), dtype=jnp.float32)
    W2 = jax.random.normal(k4, (HIDDEN, NUM_CLASSES), dtype=jnp.float32) * (1.0 / np.sqrt(HIDDEN))
    b2 = jnp.zeros((NUM_CLASSES,), dtype=jnp.float32)
    return {"x": x, "emb": emb, "W1": W1, "b1": b1, "W2": W2, "b2": b2}


def reference(x, emb, W1, b1, W2, b2):
    # mask out padding tokens (idx 0)
    mask = (x != 0).astype(jnp.float32)[..., None]  # [B, S, 1]
    e = jnp.take(emb, x, axis=0)                     # [B, S, D] gather (SparseCore)
    summed = (e * mask).sum(axis=1)                  # [B, D]
    denom = jnp.clip(mask.sum(axis=1), 1.0, None)    # [B, 1]
    avg = summed / denom
    # dropout is identity in eval mode
    h = jnp.maximum(avg @ W1 + b1, 0.0)
    logits = h @ W2 + b2
    return jax.nn.log_softmax(logits, axis=1)

if __name__ == "__main__":
    import jax
    _d = setup_inputs()
    print(jax.jit(kernel)(*tuple(_d.values())))

</pallas_src>

<mosaic_0001>
#map = affine_map<(d0, d1) -> (0, 0)>
module attributes {stable_mosaic.version = 14 : i64} {
  func.func @_sc_pool_body(%arg0: i32, %arg1: i32, %arg2: memref<4096x200xi32, #tpu.memory_space<hbm>>, %arg3: memref<1000000x64xf32, #tpu.memory_space<hbm>>, %arg4: memref<4096x64xf32, #tpu.memory_space<hbm>>, %arg5: memref<128x200xi32, #tpu.memory_space<vmem>>, %arg6: memref<200x64xf32, #tpu.memory_space<vmem>>, %arg7: memref<200x64xf32, #tpu.memory_space<vmem>>, %arg8: memref<200x64xf32, #tpu.memory_space<vmem>>, %arg9: memref<200x64xf32, #tpu.memory_space<vmem>>, %arg10: memref<200x64xf32, #tpu.memory_space<vmem>>, %arg11: memref<200x64xf32, #tpu.memory_space<vmem>>, %arg12: memref<128x64xf32, #tpu.memory_space<vmem>>, %arg13: memref<!tpu.dma_semaphore, #tpu.memory_space<semaphore_mem>>, %arg14: memref<!tpu.dma_semaphore, #tpu.memory_space<semaphore_mem>>, %arg15: memref<!tpu.dma_semaphore, #tpu.memory_space<semaphore_mem>>, %arg16: memref<!tpu.dma_semaphore, #tpu.memory_space<semaphore_mem>>, %arg17: memref<!tpu.dma_semaphore, #tpu.memory_space<semaphore_mem>>, %arg18: memref<!tpu.dma_semaphore, #tpu.memory_space<semaphore_mem>>) attributes {dimension_semantics = [#tpu.dimension_semantics<core_parallel>, #tpu.dimension_semantics<subcore_parallel>], iteration_bounds = array<i64: 2, 16>, scalar_prefetch = 0 : i64, scratch_operands = 14 : i64, tpu.core_type = #tpu.core_type<sc_vector_subcore>, window_params = [{transform_indices = #map}, {transform_indices = #map}, {transform_indices = #map}]} {
    %mul3A = arith.constant 2 : i32
    %mul3A_0 = arith.muli %arg1, %mul3A : i32
    %add3A = arith.addi %mul3A_0, %arg0 : i32
    %mul3A_1 = arith.constant 128 : i32
    %mul3A_2 = arith.muli %add3A, %mul3A_1 : i32
    "tpu.region"() ({
      %run_scoped3A = tpu.sem_alloc : memref<!tpu.dma_semaphore, #tpu.memory_space<semaphore_mem>>
      %dma_start3A_228 = arith.constant 0 : i32
      %dma_start3A_229 = tpu.memref_slice %arg2[%mul3A_2, %dma_start3A_228] : memref<4096x200xi32, #tpu.memory_space<hbm>> -> memref<128x200xi32, #tpu.memory_space<hbm>>
      %dma_start3A_230 = arith.constant 0 : i32
      %dma_start3A_231 = tpu.memref_slice %arg2[%mul3A_2, %dma_start3A_230] : memref<4096x200xi32, #tpu.memory_space<hbm>> -> memref<128x200xi32, #tpu.memory_space<hbm>>
      tpu.enqueue_dma source(%dma_start3A_231 : memref<128x200xi32, #tpu.memory_space<hbm>>) target(%arg5 : memref<128x200xi32, #tpu.memory_space<vmem>>) target_semaphore(%run_scoped3A : memref<!tpu.dma_semaphore, #tpu.memory_space<semaphore_mem>>)
      %dma_wait3A_232 = arith.constant 0 : i32
      %dma_wait3A_233 = tpu.memref_slice %arg2[%mul3A_2, %dma_wait3A_232] : memref<4096x200xi32, #tpu.memory_space<hbm>> -> memref<128x200xi32, #tpu.memory_space<hbm>>
      %dma_wait3A_234 = arith.constant 0 : i32
      %dma_wait3A_235 = tpu.memref_slice %arg2[%mul3A_2, %dma_wait3A_234] : memref<4096x200xi32, #tpu.memory_space<hbm>> -> memref<128x200xi32, #tpu.memory_space<hbm>>
      tpu.wait_dma2 semaphore(%run_scoped3A : memref<!tpu.dma_semaphore, #tpu.memory_space<semaphore_mem>>) src(%dma_wait3A_235 : memref<128x200xi32, #tpu.memory_space<hbm>>) dst(%arg5 : memref<128x200xi32, #tpu.memory_space<vmem>>)
      tpu.yield
    }) : () -> ()
    %dma_start3A = arith.constant 0 : i32
    %dma_start3A_3 = arith.constant 0 : i32
    %dma_start3A_4 = arith.constant 0 : i32
    %dma_start3A_5 = tpu.memref_slice %arg6[%dma_start3A_3, %dma_start3A_4] : memref<200x64xf32, #tpu.memory_space<vmem>> -> memref<128x64xf32, #tpu.memory_space<vmem>>
    %dma_start3A_6 = arith.constant 0 : i32
    %dma_start3A_7 = tpu.memref_slice %arg5[%dma_start3A, %dma_start3A_6] : memref<128x200xi32, #tpu.memory_space<vmem>> -> memref<1x128xi32, #tpu.memory_space<vmem>>
    %dma_start3A_8 = tpu.memref_squeeze %dma_start3A_7 : memref<1x128xi32, #tpu.memory_space<vmem>> -> memref<128xi32, #tpu.memory_space<vmem>>
    %dma_start3A_9 = arith.constant 0 : i32
    %dma_start3A_10 = arith.constant 0 : i32
    %dma_start3A_11 = tpu.memref_slice %arg3[%dma_start3A_9, %dma_start3A_10] : memref<1000000x64xf32, #tpu.memory_space<hbm>> -> memref<1000000x64xf32, #tpu.memory_space<hbm>>
    tpu.enqueue_indirect_dma source(%dma_start3A_11 : memref<1000000x64xf32, #tpu.memory_space<hbm>>) target(%dma_start3A_5 : memref<128x64xf32, #tpu.memory_space<vmem>>) offsets(%dma_start3A_8 : memref<128xi32, #tpu.memory_space<vmem>>) semaphore(%arg13 : memref<!tpu.dma_semaphore, #tpu.memory_space<semaphore_mem>>)
    %dma_start3A_12 = arith.constant 0 : i32
    %dma_start3A_13 = arith.constant 128 : i32
    %dma_start3A_14 = arith.constant 0 : i32
    %dma_start3A_15 = tpu.memref_slice %arg6[%dma_start3A_13, %dma_start3A_14] : memref<200x64xf32, #tpu.memory_space<vmem>> -> memref<72x64xf32, #tpu.memory_space<vmem>>
    %dma_start3A_16 = arith.constant 128 : i32
    %dma_start3A_17 = tpu.memref_slice %arg5[%dma_start3A_12, %dma_start3A_16] : memref<128x200xi32, #tpu.memory_space<vmem>> -> memref<1x72xi32, #tpu.memory_space<vmem>>
    %dma_start3A_18 = tpu.memref_squeeze %dma_start3A_17 : memref<1x72xi32, #tpu.memory_space<vmem>> -> memref<72xi32, #tpu.memory_space<vmem>>
    %dma_start3A_19 = arith.constant 0 : i32
    %dma_start3A_20 = arith.constant 0 : i32
    %dma_start3A_21 = tpu.memref_slice %arg3[%dma_start3A_19, %dma_start3A_20] : memref<1000000x64xf32, #tpu.memory_space<hbm>> -> memref<1000000x64xf32, #tpu.memory_space<hbm>>
    tpu.enqueue_indirect_dma source(%dma_start3A_21 : memref<1000000x64xf32, #tpu.memory_space<hbm>>) target(%dma_start3A_15 : memref<72x64xf32, #tpu.memory_space<vmem>>) offsets(%dma_start3A_18 : memref<72xi32, #tpu.memory_space<vmem>>) semaphore(%arg13 : memref<!tpu.dma_semaphore, #tpu.memory_space<semaphore_mem>>)
    %dma_start3A_22 = arith.constant 1 : i32
    %dma_start3A_23 = arith.constant 0 : i32
    %dma_start3A_24 = arith.constant 0 : i32
    %dma_start3A_25 = tpu.memref_slice %arg7[%dma_start3A_23, %dma_start3A_24] : memref<200x64xf32, #tpu.memory_space<vmem>> -> memref<128x64xf32, #tpu.memory_space<vmem>>
    %dma_start3A_26 = arith.constant 0 : i32
    %dma_start3A_27 = tpu.memref_slice %arg5[%dma_start3A_22, %dma_start3A_26] : memref<128x200xi32, #tpu.memory_space<vmem>> -> memref<1x128xi32, #tpu.memory_space<vmem>>
    %dma_start3A_28 = tpu.memref_squeeze %dma_start3A_27 : memref<1x128xi32, #tpu.memory_space<vmem>> -> memref<128xi32, #tpu.memory_space<vmem>>
    %dma_start3A_29 = arith.constant 0 : i32
    %dma_start3A_30 = arith.constant 0 : i32
    %dma_start3A_31 = tpu.memref_slice %arg3[%dma_start3A_29, %dma_start3A_30] : memref<1000000x64xf32, #tpu.memory_space<hbm>> -> memref<1000000x64xf32, #tpu.memory_space<hbm>>
    tpu.enqueue_indirect_dma source(%dma_start3A_31 : memref<1000000x64xf32, #tpu.memory_space<hbm>>) target(%dma_start3A_25 : memref<128x64xf32, #tpu.memory_space<vmem>>) offsets(%dma_start3A_28 : memref<128xi32, #tpu.memory_space<vmem>>) semaphore(%arg14 : memref<!tpu.dma_semaphore, #tpu.memory_space<semaphore_mem>>)
    %dma_start3A_32 = arith.constant 1 : i32
    %dma_start3A_33 = arith.constant 128 : i32
    %dma_start3A_34 = arith.constant 0 : i32
    %dma_start3A_35 = tpu.memref_slice %arg7[%dma_start3A_33, %dma_start3A_34] : memref<200x64xf32, #tpu.memory_space<vmem>> -> memref<72x64xf32, #tpu.memory_space<vmem>>
    %dma_start3A_36 = arith.constant 128 : i32
    %dma_start3A_37 = tpu.memref_slice %arg5[%dma_start3A_32, %dma_start3A_36] : memref<128x200xi32, #tpu.memory_space<vmem>> -> memref<1x72xi32, #tpu.memory_space<vmem>>
    %dma_start3A_38 = tpu.memref_squeeze %dma_start3A_37 : memref<1x72xi32, #tpu.memory_space<vmem>> -> memref<72xi32, #tpu.memory_space<vmem>>
    %dma_start3A_39 = arith.constant 0 : i32
    %dma_start3A_40 = arith.constant 0 : i32
    %dma_start3A_41 = tpu.memref_slice %arg3[%dma_start3A_39, %dma_start3A_40] : memref<1000000x64xf32, #tpu.memory_space<hbm>> -> memref<1000000x64xf32, #tpu.memory_space<hbm>>
    tpu.enqueue_indirect_dma source(%dma_start3A_41 : memref<1000000x64xf32, #tpu.memory_space<hbm>>) target(%dma_start3A_35 : memref<72x64xf32, #tpu.memory_space<vmem>>) offsets(%dma_start3A_38 : memref<72xi32, #tpu.memory_space<vmem>>) semaphore(%arg14 : memref<!tpu.dma_semaphore, #tpu.memory_space<semaphore_mem>>)
    %dma_start3A_42 = arith.constant 2 : i32
    %dma_start3A_43 = arith.constant 0 : i32
    %dma_start3A_44 = arith.constant 0 : i32
    %dma_start3A_45 = tpu.memref_slice %arg8[%dma_start3A_43, %dma_start3A_44] : memref<200x64xf32, #tpu.memory_space<vmem>> -> memref<128x64xf32, #tpu.memory_space<vmem>>
    %dma_start3A_46 = arith.constant 0 : i32
    %dma_start3A_47 = tpu.memref_slice %arg5[%dma_start3A_42, %dma_start3A_46] : memref<128x200xi32, #tpu.memory_space<vmem>> -> memref<1x128xi32, #tpu.memory_space<vmem>>
    %dma_start3A_48 = tpu.memref_squeeze %dma_start3A_47 : memref<1x128xi32, #tpu.memory_space<vmem>> -> memref<128xi32, #tpu.memory_space<vmem>>
    %dma_start3A_49 = arith.constant 0 : i32
    %dma_start3A_50 = arith.constant 0 : i32
    %dma_start3A_51 = tpu.memref_slice %arg3[%dma_start3A_49, %dma_start3A_50] : memref<1000000x64xf32, #tpu.memory_space<hbm>> -> memref<1000000x64xf32, #tpu.memory_space<hbm>>
    tpu.enqueue_indirect_dma source(%dma_start3A_51 : memref<1000000x64xf32, #tpu.memory_space<hbm>>) target(%dma_start3A_45 : memref<128x64xf32, #tpu.memory_space<vmem>>) offsets(%dma_start3A_48 : memref<128xi32, #tpu.memory_space<vmem>>) semaphore(%arg15 : memref<!tpu.dma_semaphore, #tpu.memory_space<semaphore_mem>>)
    %dma_start3A_52 = arith.constant 2 : i32
    %dma_start3A_53 = arith.constant 128 : i32
    %dma_start3A_54 = arith.constant 0 : i32
    %dma_start3A_55 = tpu.memref_slice %arg8[%dma_start3A_53, %dma_start3A_54] : memref<200x64xf32, #tpu.memory_space<vmem>> -> memref<72x64xf32, #tpu.memory_space<vmem>>
    %dma_start3A_56 = arith.constant 128 : i32
    %dma_start3A_57 = tpu.memref_slice %arg5[%dma_start3A_52, %dma_start3A_56] : memref<128x200xi32, #tpu.memory_space<vmem>> -> memref<1x72xi32, #tpu.memory_space<vmem>>
    %dma_start3A_58 = tpu.memref_squeeze %dma_start3A_57 : memref<1x72xi32, #tpu.memory_space<vmem>> -> memref<72xi32, #tpu.memory_space<vmem>>
    %dma_start3A_59 = arith.constant 0 : i32
    %dma_start3A_60 = arith.constant 0 : i32
    %dma_start3A_61 = tpu.memref_slice %arg3[%dma_start3A_59, %dma_start3A_60] : memref<1000000x64xf32, #tpu.memory_space<hbm>> -> memref<1000000x64xf32, #tpu.memory_space<hbm>>
    tpu.enqueue_indirect_dma source(%dma_start3A_61 : memref<1000000x64xf32, #tpu.memory_space<hbm>>) target(%dma_start3A_55 : memref<72x64xf32, #tpu.memory_space<vmem>>) offsets(%dma_start3A_58 : memref<72xi32, #tpu.memory_space<vmem>>) semaphore(%arg15 : memref<!tpu.dma_semaphore, #tpu.memory_space<semaphore_mem>>)
    %dma_start3A_62 = arith.constant 3 : i32
    %dma_start3A_63 = arith.constant 0 : i32
    %dma_start3A_64 = arith.constant 0 : i32
    %dma_start3A_65 = tpu.memref_slice %arg9[%dma_start3A_63, %dma_start3A_64] : memref<200x64xf32, #tpu.memory_space<vmem>> -> memref<128x64xf32, #tpu.memory_space<vmem>>
    %dma_start3A_66 = arith.constant 0 : i32
    %dma_start3A_67 = tpu.memref_slice %arg5[%dma_start3A_62, %dma_start3A_66] : memref<128x200xi32, #tpu.memory_space<vmem>> -> memref<1x128xi32, #tpu.memory_space<vmem>>
    %dma_start3A_68 = tpu.memref_squeeze %dma_start3A_67 : memref<1x128xi32, #tpu.memory_space<vmem>> -> memref<128xi32, #tpu.memory_space<vmem>>
    %dma_start3A_69 = arith.constant 0 : i32
    %dma_start3A_70 = arith.constant 0 : i32
    %dma_start3A_71 = tpu.memref_slice %arg3[%dma_start3A_69, %dma_start3A_70] : memref<1000000x64xf32, #tpu.memory_space<hbm>> -> memref<1000000x64xf32, #tpu.memory_space<hbm>>
    tpu.enqueue_indirect_dma source(%dma_start3A_71 : memref<1000000x64xf32, #tpu.memory_space<hbm>>) target(%dma_start3A_65 : memref<128x64xf32, #tpu.memory_space<vmem>>) offsets(%dma_start3A_68 : memref<128xi32, #tpu.memory_space<vmem>>) semaphore(%arg16 : memref<!tpu.dma_semaphore, #tpu.memory_space<semaphore_mem>>)
    %dma_start3A_72 = arith.constant 3 : i32
    %dma_start3A_73 = arith.constant 128 : i32
    %dma_start3A_74 = arith.constant 0 : i32
    %dma_start3A_75 = tpu.memref_slice %arg9[%dma_start3A_73, %dma_start3A_74] : memref<200x64xf32, #tpu.memory_space<vmem>> -> memref<72x64xf32, #tpu.memory_space<vmem>>
    %dma_start3A_76 = arith.constant 128 : i32
    %dma_start3A_77 = tpu.memref_slice %arg5[%dma_start3A_72, %dma_start3A_76] : memref<128x200xi32, #tpu.memory_space<vmem>> -> memref<1x72xi32, #tpu.memory_space<vmem>>
    %dma_start3A_78 = tpu.memref_squeeze %dma_start3A_77 : memref<1x72xi32, #tpu.memory_space<vmem>> -> memref<72xi32, #tpu.memory_space<vmem>>
    %dma_start3A_79 = arith.constant 0 : i32
    %dma_start3A_80 = arith.constant 0 : i32
    %dma_start3A_81 = tpu.memref_slice %arg3[%dma_start3A_79, %dma_start3A_80] : memref<1000000x64xf32, #tpu.memory_space<hbm>> -> memref<1000000x64xf32, #tpu.memory_space<hbm>>
    tpu.enqueue_indirect_dma source(%dma_start3A_81 : memref<1000000x64xf32, #tpu.memory_space<hbm>>) target(%dma_start3A_75 : memref<72x64xf32, #tpu.memory_space<vmem>>) offsets(%dma_start3A_78 : memref<72xi32, #tpu.memory_space<vmem>>) semaphore(%arg16 : memref<!tpu.dma_semaphore, #tpu.memory_space<semaphore_mem>>)
    %dma_start3A_82 = arith.constant 4 : i32
    %dma_start3A_83 = arith.constant 0 : i32
    %dma_start3A_84 = arith.constant 0 : i32
    %dma_start3A_85 = tpu.memref_slice %arg10[%dma_start3A_83, %dma_start3A_84] : memref<200x64xf32, #tpu.memory_space<vmem>> -> memref<128x64xf32, #tpu.memory_space<vmem>>
    %dma_start3A_86 = arith.constant 0 : i32
    %dma_start3A_87 = tpu.memref_slice %arg5[%dma_start3A_82, %dma_start3A_86] : memref<128x200xi32, #tpu.memory_space<vmem>> -> memref<1x128xi32, #tpu.memory_space<vmem>>
    %dma_start3A_88 = tpu.memref_squeeze %dma_start3A_87 : memref<1x128xi32, #tpu.memory_space<vmem>> -> memref<128xi32, #tpu.memory_space<vmem>>
    %dma_start3A_89 = arith.constant 0 : i32
    %dma_start3A_90 = arith.constant 0 : i32
    %dma_start3A_91 = tpu.memref_slice %arg3[%dma_start3A_89, %dma_start3A_90] : memref<1000000x64xf32, #tpu.memory_space<hbm>> -> memref<1000000x64xf32, #tpu.memory_space<hbm>>
    tpu.enqueue_indirect_dma source(%dma_start3A_91 : memref<1000000x64xf32, #tpu.memory_space<hbm>>) target(%dma_start3A_85 : memref<128x64xf32, #tpu.memory_space<vmem>>) offsets(%dma_start3A_88 : memref<128xi32, #tpu.memory_space<vmem>>) semaphore(%arg17 : memref<!tpu.dma_semaphore, #tpu.memory_space<semaphore_mem>>)
    %dma_start3A_92 = arith.constant 4 : i32
    %dma_start3A_93 = arith.constant 128 : i32
    %dma_start3A_94 = arith.constant 0 : i32
    %dma_start3A_95 = tpu.memref_slice %arg10[%dma_start3A_93, %dma_start3A_94] : memref<200x64xf32, #tpu.memory_space<vmem>> -> memref<72x64xf32, #tpu.memory_space<vmem>>
    %dma_start3A_96 = arith.constant 128 : i32
    %dma_start3A_97 = tpu.memref_slice %arg5[%dma_start3A_92, %dma_start3A_96] : memref<128x200xi32, #tpu.memory_space<vmem>> -> memref<1x72xi32, #tpu.memory_space<vmem>>
    %dma_start3A_98 = tpu.memref_squeeze %dma_start3A_97 : memref<1x72xi32, #tpu.memory_space<vmem>> -> memref<72xi32, #tpu.memory_space<vmem>>
    %dma_start3A_99 = arith.constant 0 : i32
    %dma_start3A_100 = arith.constant 0 : i32
    %dma_start3A_101 = tpu.memref_slice %arg3[%dma_start3A_99, %dma_start3A_100] : memref<1000000x64xf32, #tpu.memory_space<hbm>> -> memref<1000000x64xf32, #tpu.memory_space<hbm>>
    tpu.enqueue_indirect_dma source(%dma_start3A_101 : memref<1000000x64xf32, #tpu.memory_space<hbm>>) target(%dma_start3A_95 : memref<72x64xf32, #tpu.memory_space<vmem>>) offsets(%dma_start3A_98 : memref<72xi32, #tpu.memory_space<vmem>>) semaphore(%arg17 : memref<!tpu.dma_semaphore, #tpu.memory_space<semaphore_mem>>)
    %dma_start3A_102 = arith.constant 5 : i32
    %dma_start3A_103 = arith.constant 0 : i32
    %dma_start3A_104 = arith.constant 0 : i32
    %dma_start3A_105 = tpu.memref_slice %arg11[%dma_start3A_103, %dma_start3A_104] : memref<200x64xf32, #tpu.memory_space<vmem>> -> memref<128x64xf32, #tpu.memory_space<vmem>>
    %dma_start3A_106 = arith.constant 0 : i32
    %dma_start3A_107 = tpu.memref_slice %arg5[%dma_start3A_102, %dma_start3A_106] : memref<128x200xi32, #tpu.memory_space<vmem>> -> memref<1x128xi32, #tpu.memory_space<vmem>>
    %dma_start3A_108 = tpu.memref_squeeze %dma_start3A_107 : memref<1x128xi32, #tpu.memory_space<vmem>> -> memref<128xi32, #tpu.memory_space<vmem>>
    %dma_start3A_109 = arith.constant 0 : i32
    %dma_start3A_110 = arith.constant 0 : i32
    %dma_start3A_111 = tpu.memref_slice %arg3[%dma_start3A_109, %dma_start3A_110] : memref<1000000x64xf32, #tpu.memory_space<hbm>> -> memref<1000000x64xf32, #tpu.memory_space<hbm>>
    tpu.enqueue_indirect_dma source(%dma_start3A_111 : memref<1000000x64xf32, #tpu.memory_space<hbm>>) target(%dma_start3A_105 : memref<128x64xf32, #tpu.memory_space<vmem>>) offsets(%dma_start3A_108 : memref<128xi32, #tpu.memory_space<vmem>>) semaphore(%arg18 : memref<!tpu.dma_semaphore, #tpu.memory_space<semaphore_mem>>)
    %dma_start3A_112 = arith.constant 5 : i32
    %dma_start3A_113 = arith.constant 128 : i32
    %dma_start3A_114 = arith.constant 0 : i32
    %dma_start3A_115 = tpu.memref_slice %arg11[%dma_start3A_113, %dma_start3A_114] : memref<200x64xf32, #tpu.memory_space<vmem>> -> memref<72x64xf32, #tpu.memory_space<vmem>>
    %dma_start3A_116 = arith.constant 128 : i32
    %dma_start3A_117 = tpu.memref_slice %arg5[%dma_start3A_112, %dma_start3A_116] : memref<128x200xi32, #tpu.memory_space<vmem>> -> memref<1x72xi32, #tpu.memory_space<vmem>>
    %dma_start3A_118 = tpu.memref_squeeze %dma_start3A_117 : memref<1x72xi32, #tpu.memory_space<vmem>> -> memref<72xi32, #tpu.memory_space<vmem>>
    %dma_start3A_119 = arith.constant 0 : i32
    %dma_start3A_120 = arith.constant 0 : i32
    %dma_start3A_121 = tpu.memref_slice %arg3[%dma_start3A_119, %dma_start3A_120] : memref<1000000x64xf32, #tpu.memory_space<hbm>> -> memref<1000000x64xf32, #tpu.memory_space<hbm>>
    tpu.enqueue_indirect_dma source(%dma_start3A_121 : memref<1000000x64xf32, #tpu.memory_space<hbm>>) target(%dma_start3A_115 : memref<72x64xf32, #tpu.memory_space<vmem>>) offsets(%dma_start3A_118 : memref<72xi32, #tpu.memory_space<vmem>>) semaphore(%arg18 : memref<!tpu.dma_semaphore, #tpu.memory_space<semaphore_mem>>)
    %scan3A = arith.constant 0 : i32
    %scan3A_122 = arith.constant 0 : i32
    %scan3A_123 = arith.constant 21 : i32
    %scan3A_124 = arith.addi %scan3A_122, %scan3A_123 : i32
    %scan3A_125 = arith.constant 1 : i32
    scf.for %scan3A_228 = %scan3A_122 to %scan3A_124 step %scan3A_125  : i32 {
      %mul3A_229 = arith.constant 6 : i32
      %mul3A_230 = arith.muli %mul3A_229, %scan3A_228 : i32
      %add3A_231 = arith.constant 0 : i32
      %add3A_232 = arith.addi %mul3A_230, %add3A_231 : i32
      %dma_wait3A_233 = arith.constant 0 : i32
      %dma_wait3A_234 = arith.constant 0 : i32
      %dma_wait3A_235 = tpu.memref_slice %arg6[%dma_wait3A_233, %dma_wait3A_234] : memref<200x64xf32, #tpu.memory_space<vmem>> -> memref<128x64xf32, #tpu.memory_space<vmem>>
      %dma_wait3A_236 = arith.constant 0 : i32
      %dma_wait3A_237 = tpu.memref_slice %arg5[%add3A_232, %dma_wait3A_236] : memref<128x200xi32, #tpu.memory_space<vmem>> -> memref<1x128xi32, #tpu.memory_space<vmem>>
      %dma_wait3A_238 = tpu.memref_squeeze %dma_wait3A_237 : memref<1x128xi32, #tpu.memory_space<vmem>> -> memref<128xi32, #tpu.memory_space<vmem>>
      %dma_wait3A_239 = arith.constant 0 : i32
      %dma_wait3A_240 = arith.constant 0 : i32
      %dma_wait3A_241 = tpu.memref_slice %arg3[%dma_wait3A_239, %dma_wait3A_240] : memref<1000000x64xf32, #tpu.memory_space<hbm>> -> memref<1000000x64xf32, #tpu.memory_space<hbm>>
      tpu.wait_indirect_dma semaphore(%arg13 : memref<!tpu.dma_semaphore, #tpu.memory_space<semaphore_mem>>) src(%dma_wait3A_241 : memref<1000000x64xf32, #tpu.memory_space<hbm>>) dst(%dma_wait3A_235 : memref<128x64xf32, #tpu.memory_space<vmem>>)
      %dma_wait3A_242 = arith.constant 128 : i32
      %dma_wait3A_243 = arith.constant 0 : i32
      %dma_wait3A_244 = tpu.memref_slice %arg6[%dma_wait3A_242, %dma_wait3A_243] : memref<200x64xf32, #tpu.memory_space<vmem>> -> memref<72x64xf32, #tpu.memory_space<vmem>>
      %dma_wait3A_245 = arith.constant 128 : i32
      %dma_wait3A_246 = tpu.memref_slice %arg5[%add3A_232, %dma_wait3A_245] : memref<128x200xi32, #tpu.memory_space<vmem>> -> memref<1x72xi32, #tpu.memory_space<vmem>>
      %dma_wait3A_247 = tpu.memref_squeeze %dma_wait3A_246 : memref<1x72xi32, #tpu.memory_space<vmem>> -> memref<72xi32, #tpu.memory_space<vmem>>
      %dma_wait3A_248 = arith.constant 0 : i32
      %dma_wait3A_249 = arith.constant 0 : i32
      %dma_wait3A_250 = tpu.memref_slice %arg3[%dma_wait3A_248, %dma_wait3A_249] : memref<1000000x64xf32, #tpu.memory_space<hbm>> -> memref<1000000x64xf32, #tpu.memory_space<hbm>>
      tpu.wait_indirect_dma semaphore(%arg13 : memref<!tpu.dma_semaphore, #tpu.memory_space<semaphore_mem>>) src(%dma_wait3A_250 : memref<1000000x64xf32, #tpu.memory_space<hbm>>) dst(%dma_wait3A_244 : memref<72x64xf32, #tpu.memory_space<vmem>>)
      %broadcast_in_dim3A_251 = arith.constant 0.000000e+00 : f32
      %broadcast_in_dim3A_252 = vector.broadcast %broadcast_in_dim3A_251 : f32 to vector<16xf32>
      %scan3A_253 = arith.constant 0 : i32
      %scan3A_254 = arith.constant 200 : i32
      %scan3A_255 = arith.addi %scan3A_253, %scan3A_254 : i32
      %scan3A_256 = arith.constant 1 : i32
      %scan3A_257:4 = scf.for %scan3A_570 = %scan3A_253 to %scan3A_255 step %scan3A_256 iter_args(%scan3A_571 = %broadcast_in_dim3A_252, %scan3A_572 = %broadcast_in_dim3A_252, %scan3A_573 = %broadcast_in_dim3A_252, %scan3A_574 = %broadcast_in_dim3A_252) -> (vector<16xf32>, vector<16xf32>, vector<16xf32>, vector<16xf32>)  : i32 {
        %get3A = arith.index_cast %scan3A_570 : i32 to index
        %get3A_575 = arith.constant 0 : index
        %get3A_576 = tpu.vector_load %arg6[%get3A, %get3A_575] {strides = array<i32>} : memref<200x64xf32, #tpu.memory_space<vmem>>, vector<1x16xf32>,
        %get3A_577 = vector.shape_cast %get3A_576 : vector<1x16xf32> to vector<16xf32>
        %add3A_578 = arith.addf %scan3A_571, %get3A_577 : vector<16xf32>
        %get3A_579 = arith.index_cast %scan3A_570 : i32 to index
        %get3A_580 = arith.constant 16 : index
        %get3A_581 = tpu.vector_load %arg6[%get3A_579, %get3A_580] {strides = array<i32>} : memref<200x64xf32, #tpu.memory_space<vmem>>, vector<1x16xf32>,
        %get3A_582 = vector.shape_cast %get3A_581 : vector<1x16xf32> to vector<16xf32>
        %add3A_583 = arith.addf %scan3A_572, %get3A_582 : vector<16xf32>
        %get3A_584 = arith.index_cast %scan3A_570 : i32 to index
        %get3A_585 = arith.constant 32 : index
        %get3A_586 = tpu.vector_load %arg6[%get3A_584, %get3A_585] {strides = array<i32>} : memref<200x64xf32, #tpu.memory_space<vmem>>, vector<1x16xf32>,
        %get3A_587 = vector.shape_cast %get3A_586 : vector<1x16xf32> to vector<16xf32>
        %add3A_588 = arith.addf %scan3A_573, %get3A_587 : vector<16xf32>
        %get3A_589 = arith.index_cast %scan3A_570 : i32 to index
        %get3A_590 = arith.constant 48 : index
        %get3A_591 = tpu.vector_load %arg6[%get3A_589, %get3A_590] {strides = array<i32>} : memref<200x64xf32, #tpu.memory_space<vmem>>, vector<1x16xf32>,
        %get3A_592 = vector.shape_cast %get3A_591 : vector<1x16xf32> to vector<16xf32>
        %add3A_593 = arith.addf %scan3A_574, %get3A_592 : vector<16xf32>
        scf.yield %add3A_578, %add3A_583, %add3A_588, %add3A_593 : vector<16xf32>, vector<16xf32>, vector<16xf32>, vector<16xf32>
      }
      %scan3A_258 = arith.constant 200 : i32
      %swap3A_259 = arith.index_cast %add3A_232 : i32 to index
      %swap3A_260 = arith.constant 0 : index
      %swap3A_261 = tpu.vector_load %arg12[%swap3A_259, %swap3A_260] {strides = array<i32>} : memref<128x64xf32, #tpu.memory_space<vmem>>, vector<1x16xf32>,
      %swap3A_262 = vector.shape_cast %swap3A_261 : vector<1x16xf32> to vector<16xf32>
      %swap3A_263 = vector.shape_cast %scan3A_257#0 : vector<16xf32> to vector<1x16xf32>
      tpu.vector_store %arg12[%swap3A_259, %swap3A_260], %swap3A_263 {strides = array<i32>} : memref<128x64xf32, #tpu.memory_space<vmem>>, vector<1x16xf32>,
      %swap3A_264 = arith.index_cast %add3A_232 : i32 to index
      %swap3A_265 = arith.constant 16 : index
      %swap3A_266 = tpu.vector_load %arg12[%swap3A_264, %swap3A_265] {strides = array<i32>} : memref<128x64xf32, #tpu.memory_space<vmem>>, vector<1x16xf32>,
      %swap3A_267 = vector.shape_cast %swap3A_266 : vector<1x16xf32> to vector<16xf32>
      %swap3A_268 = vector.shape_cast %scan3A_257#1 : vector<16xf32> to vector<1x16xf32>
      tpu.vector_store %arg12[%swap3A_264, %swap3A_265], %swap3A_268 {strides = array<i32>} : memref<128x64xf32, #tpu.memory_space<vmem>>, vector<1x16xf32>,
      %swap3A_269 = arith.index_cast %add3A_232 : i32 to index
      %swap3A_270 = arith.constant 32 : index
      %swap3A_271 = tpu.vector_load %arg12[%swap3A_269, %swap3A_270] {strides = array<i32>} : memref<128x64xf32, #tpu.memory_space<vmem>>, vector<1x16xf32>,
      %swap3A_272 = vector.shape_cast %swap3A_271 : vector<1x16xf32> to vector<16xf32>
      %swap3A_273 = vector.shape_cast %scan3A_257#2 : vector<16xf32> to vector<1x16xf32>
      tpu.vector_store %arg12[%swap3A_269, %swap3A_270], %swap3A_273 {strides = array<i32>} : memref<128x64xf32, #tpu.memory_space<vmem>>, vector<1x16xf32>,
      %swap3A_274 = arith.index_cast %add3A_232 : i32 to index
      %swap3A_275 = arith.constant 48 : index
      %swap3A_276 = tpu.vector_load %arg12[%swap3A_274, %swap3A_275] {strides = array<i32>} : memref<128x64xf32, #tpu.memory_space<vmem>>, vector<1x16xf32>,
      %swap3A_277 = vector.shape_cast %swap3A_276 : vector<1x16xf32> to vector<16xf32>
      %swap3A_278 = vector.shape_cast %scan3A_257#3 : vector<16xf32> to vector<1x16xf32>
      tpu.vector_store %arg12[%swap3A_274, %swap3A_275], %swap3A_278 {strides = array<i32>} : memref<128x64xf32, #tpu.memory_space<vmem>>, vector<1x16xf32>,
      %add3A_279 = arith.constant 0 : i32
      %add3A_280 = arith.addi %mul3A_230, %add3A_279 : i32
      %add3A_281 = arith.constant 6 : i32
      %add3A_282 = arith.addi %add3A_280, %add3A_281 : i32
      %lt3A = arith.constant 128 : i32
      %lt3A_283 = arith.cmpi slt, %add3A_282, %lt3A : i32
      %convert_element_type3A = arith.extui %lt3A_283 : i1 to i32
      %cond3A = arith.constant 0 : i32
      %cond3A_284 = arith.cmpi ne, %convert_element_type3A, %cond3A : i32
      scf.if %cond3A_284 {
        %add3A_570 = arith.constant 0 : i32
        %add3A_571 = arith.addi %mul3A_230, %add3A_570 : i32
        %add3A_572 = arith.constant 6 : i32
        %add3A_573 = arith.addi %add3A_571, %add3A_572 : i32
        %dma_start3A_574 = arith.constant 0 : i32
        %dma_start3A_575 = arith.constant 0 : i32
        %dma_start3A_576 = tpu.memref_slice %arg6[%dma_start3A_574, %dma_start3A_575] : memref<200x64xf32, #tpu.memory_space<vmem>> -> memref<128x64xf32, #tpu.memory_space<vmem>>
        %dma_start3A_577 = arith.constant 0 : i32
        %dma_start3A_578 = tpu.memref_slice %arg5[%add3A_573, %dma_start3A_577] : memref<128x200xi32, #tpu.memory_space<vmem>> -> memref<1x128xi32, #tpu.memory_space<vmem>>
        %dma_start3A_579 = tpu.memref_squeeze %dma_start3A_578 : memref<1x128xi32, #tpu.memory_space<vmem>> -> memref<128xi32, #tpu.memory_space<vmem>>
        %dma_start3A_580 = arith.constant 0 : i32
        %dma_start3A_581 = arith.constant 0 : i32
        %dma_start3A_582 = tpu.memref_slice %arg3[%dma_start3A_580, %dma_start3A_581] : memref<1000000x64xf32, #tpu.memory_space<hbm>> -> memref<1000000x64xf32, #tpu.memory_space<hbm>>
        tpu.enqueue_indirect_dma source(%dma_start3A_582 : memref<1000000x64xf32, #tpu.memory_space<hbm>>) target(%dma_start3A_576 : memref<128x64xf32, #tpu.memory_space<vmem>>) offsets(%dma_start3A_579 : memref<128xi32, #tpu.memory_space<vmem>>) semaphore(%arg13 : memref<!tpu.dma_semaphore, #tpu.memory_space<semaphore_mem>>)
        %dma_start3A_583 = arith.constant 128 : i32
        %dma_start3A_584 = arith.constant 0 : i32
        %dma_start3A_585 = tpu.memref_slice %arg6[%dma_start3A_583, %dma_start3A_584] : memref<200x64xf32, #tpu.memory_space<vmem>> -> memref<72x64xf32, #tpu.memory_space<vmem>>
        %dma_start3A_586 = arith.constant 128 : i32
        %dma_start3A_587 = tpu.memref_slice %arg5[%add3A_573, %dma_start3A_586] : memref<128x200xi32, #tpu.memory_space<vmem>> -> memref<1x72xi32, #tpu.memory_space<vmem>>
        %dma_start3A_588 = tpu.memref_squeeze %dma_start3A_587 : memref<1x72xi32, #tpu.memory_space<vmem>> -> memref<72xi32, #tpu.memory_space<vmem>>
        %dma_start3A_589 = arith.constant 0 : i32
        %dma_start3A_590 = arith.constant 0 : i32
        %dma_start3A_591 = tpu.memref_slice %arg3[%dma_start3A_589, %dma_start3A_590] : memref<1000000x64xf32, #tpu.memory_space<hbm>> -> memref<1000000x64xf32, #tpu.memory_space<hbm>>
        tpu.enqueue_indirect_dma source(%dma_start3A_591 : memref<1000000x64xf32, #tpu.memory_space<hbm>>) target(%dma_start3A_585 : memref<72x64xf32, #tpu.memory_space<vmem>>) offsets(%dma_start3A_588 : memref<72xi32, #tpu.memory_space<vmem>>) semaphore(%arg13 : memref<!tpu.dma_semaphore, #tpu.memory_space<semaphore_mem>>)
      } else {
      }
      %add3A_285 = arith.constant 1 : i32
      %add3A_286 = arith.addi %mul3A_230, %add3A_285 : i32
      %dma_wait3A_287 = arith.constant 0 : i32
      %dma_wait3A_288 = arith.constant 0 : i32
      %dma_wait3A_289 = tpu.memref_slice %arg7[%dma_wait3A_287, %dma_wait3A_288] : memref<200x64xf32, #tpu.memory_space<vmem>> -> memref<128x64xf32, #tpu.memory_space<vmem>>
      %dma_wait3A_290 = arith.constant 0 : i32
      %dma_wait3A_291 = tpu.memref_slice %arg5[%add3A_286, %dma_wait3A_290] : memref<128x200xi32, #tpu.memory_space<vmem>> -> memref<1x128xi32, #tpu.memory_space<vmem>>
      %dma_wait3A_292 = tpu.memref_squeeze %dma_wait3A_291 : memref<1x128xi32, #tpu.memory_space<vmem>> -> memref<128xi32, #tpu.memory_space<vmem>>
      %dma_wait3A_293 = arith.constant 0 : i32
      %dma_wait3A_294 = arith.constant 0 : i32
      %dma_wait3A_295 = tpu.memref_slice %arg3[%dma_wait3A_293, %dma_wait3A_294] : memref<1000000x64xf32, #tpu.memory_space<hbm>> -> memref<1000000x64xf32, #tpu.memory_space<hbm>>
      tpu.wait_indirect_dma semaphore(%arg14 : memref<!tpu.dma_semaphore, #tpu.memory_space<semaphore_mem>>) src(%dma_wait3A_295 : memref<1000000x64xf32, #tpu.memory_space<hbm>>) dst(%dma_wait3A_289 : memref<128x64xf32, #tpu.memory_space<vmem>>)
      %dma_wait3A_296 = arith.constant 128 : i32
      %dma_wait3A_297 = arith.constant 0 : i32
      %dma_wait3A_298 = tpu.memref_slice %arg7[%dma_wait3A_296, %dma_wait3A_297] : memref<200x64xf32, #tpu.memory_space<vmem>> -> memref<72x64xf32, #tpu.memory_space<vmem>>
      %dma_wait3A_299 = arith.constant 128 : i32
      %dma_wait3A_300 = tpu.memref_slice %arg5[%add3A_286, %dma_wait3A_299] : memref<128x200xi32, #tpu.memory_space<vmem>> -> memref<1x72xi32, #tpu.memory_space<vmem>>
      %dma_wait3A_301 = tpu.memref_squeeze %dma_wait3A_300 : memref<1x72xi32, #tpu.memory_space<vmem>> -> memref<72xi32, #tpu.memory_space<vmem>>
      %dma_wait3A_302 = arith.constant 0 : i32
      %dma_wait3A_303 = arith.constant 0 : i32
      %dma_wait3A_304 = tpu.memref_slice %arg3[%dma_wait3A_302, %dma_wait3A_303] : memref<1000000x64xf32, #tpu.memory_space<hbm>> -> memref<1000000x64xf32, #tpu.memory_space<hbm>>
      tpu.wait_indirect_dma semaphore(%arg14 : memref<!tpu.dma_semaphore, #tpu.memory_space<semaphore_mem>>) src(%dma_wait3A_304 : memref<1000000x64xf32, #tpu.memory_space<hbm>>) dst(%dma_wait3A_298 : memref<72x64xf32, #tpu.memory_space<vmem>>)
      %broadcast_in_dim3A_305 = arith.constant 0.000000e+00 : f32
      %broadcast_in_dim3A_306 = vector.broadcast %broadcast_in_dim3A_305 : f32 to vector<16xf32>
      %scan3A_307 = arith.constant 0 : i32
      %scan3A_308 = arith.constant 200 : i32
      %scan3A_309 = arith.addi %scan3A_307, %scan3A_308 : i32
      %scan3A_310 = arith.constant 1 : i32
      %scan3A_311:4 = scf.for %scan3A_570 = %scan3A_307 to %scan3A_309 step %scan3A_310 iter_args(%scan3A_571 = %broadcast_in_dim3A_306, %scan3A_572 = %broadcast_in_dim3A_306, %scan3A_573 = %broadcast_in_dim3A_306, %scan3A_574 = %broadcast_in_dim3A_306) -> (vector<16xf32>, vector<16xf32>, vector<16xf32>, vector<16xf32>)  : i32 {
        %get3A = arith.index_cast %scan3A_570 : i32 to index
        %get3A_575 = arith.constant 0 : index
        %get3A_576 = tpu.vector_load %arg7[%get3A, %get3A_575] {strides = array<i32>} : memref<200x64xf32, #tpu.memory_space<vmem>>, vector<1x16xf32>,
        %get3A_577 = vector.shape_cast %get3A_576 : vector<1x16xf32> to vector<16xf32>
        %add3A_578 = arith.addf %scan3A_571, %get3A_577 : vector<16xf32>
        %get3A_579 = arith.index_cast %scan3A_570 : i32 to index
        %get3A_580 = arith.constant 16 : index
        %get3A_581 = tpu.vector_load %arg7[%get3A_579, %get3A_580] {strides = array<i32>} : memref<200x64xf32, #tpu.memory_space<vmem>>, vector<1x16xf32>,
        %get3A_582 = vector.shape_cast %get3A_581 : vector<1x16xf32> to vector<16xf32>
        %add3A_583 = arith.addf %scan3A_572, %get3A_582 : vector<16xf32>
        %get3A_584 = arith.index_cast %scan3A_570 : i32 to index
        %get3A_585 = arith.constant 32 : index
        %get3A_586 = tpu.vector_load %arg7[%get3A_584, %get3A_585] {strides = array<i32>} : memref<200x64xf32, #tpu.memory_space<vmem>>, vector<1x16xf32>,
        %get3A_587 = vector.shape_cast %get3A_586 : vector<1x16xf32> to vector<16xf32>
        %add3A_588 = arith.addf %scan3A_573, %get3A_587 : vector<16xf32>
        %get3A_589 = arith.index_cast %scan3A_570 : i32 to index
        %get3A_590 = arith.constant 48 : index
        %get3A_591 = tpu.vector_load %arg7[%get3A_589, %get3A_590] {strides = array<i32>} : memref<200x64xf32, #tpu.memory_space<vmem>>, vector<1x16xf32>,
        %get3A_592 = vector.shape_cast %get3A_591 : vector<1x16xf32> to vector<16xf32>
        %add3A_593 = arith.addf %scan3A_574, %get3A_592 : vector<16xf32>
        scf.yield %add3A_578, %add3A_583, %add3A_588, %add3A_593 : vector<16xf32>, vector<16xf32>, vector<16xf32>, vector<16xf32>
      }
      %scan3A_312 = arith.constant 200 : i32
      %swap3A_313 = arith.index_cast %add3A_286 : i32 to index
      %swap3A_314 = arith.constant 0 : index
      %swap3A_315 = tpu.vector_load %arg12[%swap3A_313, %swap3A_314] {strides = array<i32>} : memref<128x64xf32, #tpu.memory_space<vmem>>, vector<1x16xf32>,
      %swap3A_316 = vector.shape_cast %swap3A_315 : vector<1x16xf32> to vector<16xf32>
      %swap3A_317 = vector.shape_cast %scan3A_311#0 : vector<16xf32> to vector<1x16xf32>
      tpu.vector_store %arg12[%swap3A_313, %swap3A_314], %swap3A_317 {strides = array<i32>} : memref<128x64xf32, #tpu.memory_space<vmem>>, vector<1x16xf32>,
      %swap3A_318 = arith.index_cast %add3A_286 : i32 to index
      %swap3A_319 = arith.constant 16 : index
      %swap3A_320 = tpu.vector_load %arg12[%swap3A_318, %swap3A_319] {strides = array<i32>} : memref<128x64xf32, #tpu.memory_space<vmem>>, vector<1x16xf32>,
      %swap3A_321 = vector.shape_cast %swap3A_320 : vector<1x16xf32> to vector<16xf32>
      %swap3A_322 = vector.shape_cast %scan3A_311#1 : vector<16xf32> to vector<1x16xf32>
      tpu.vector_store %arg12[%swap3A_318, %swap3A_319], %swap3A_322 {strides = array<i32>} : memref<128x64xf32, #tpu.memory_space<vmem>>, vector<1x16xf32>,
      %swap3A_323 = arith.index_cast %add3A_286 : i32 to index
      %swap3A_324 = arith.constant 32 : index
      %swap3A_325 = tpu.vector_load %arg12[%swap3A_323, %swap3A_324] {strides = array<i32>} : memref<128x64xf32, #tpu.memory_space<vmem>>, vector<1x16xf32>,
      %swap3A_326 = vector.shape_cast %swap3A_325 : vector<1x16xf32> to vector<16xf32>
      %swap3A_327 = vector.shape_cast %scan3A_311#2 : vector<16xf32> to vector<1x16xf32>
      tpu.vector_store %arg12[%swap3A_323, %swap3A_324], %swap3A_327 {strides = array<i32>} : memref<128x64xf32, #tpu.memory_space<vmem>>, vector<1x16xf32>,
      %swap3A_328 = arith.index_cast %add3A_286 : i32 to index
      %swap3A_329 = arith.constant 48 : index
      %swap3A_330 = tpu.vector_load %arg12[%swap3A_328, %swap3A_329] {strides = array<i32>} : memref<128x64xf32, #tpu.memory_space<vmem>>, vector<1x16xf32>,
      %swap3A_331 = vector.shape_cast %swap3A_330 : vector<1x16xf32> to vector<16xf32>
      %swap3A_332 = vector.shape_cast %scan3A_311#3 : vector<16xf32> to vector<1x16xf32>
      tpu.vector_store %arg12[%swap3A_328, %swap3A_329], %swap3A_332 {strides = array<i32>} : memref<128x64xf32, #tpu.memory_space<vmem>>, vector<1x16xf32>,
      %add3A_333 = arith.constant 1 : i32
      %add3A_334 = arith.addi %mul3A_230, %add3A_333 : i32
      %add3A_335 = arith.constant 6 : i32
      %add3A_336 = arith.addi %add3A_334, %add3A_335 : i32
      %lt3A_337 = arith.constant 128 : i32
      %lt3A_338 = arith.cmpi slt, %add3A_336, %lt3A_337 : i32
      %convert_element_type3A_339 = arith.extui %lt3A_338 : i1 to i32
      %cond3A_340 = arith.constant 0 : i32
      %cond3A_341 = arith.cmpi ne, %convert_element_type3A_339, %cond3A_340 : i32
      scf.if %cond3A_341 {
        %add3A_570 = arith.constant 1 : i32
        %add3A_571 = arith.addi %mul3A_230, %add3A_570 : i32
        %add3A_572 = arith.constant 6 : i32
        %add3A_573 = arith.addi %add3A_571, %add3A_572 : i32
        %dma_start3A_574 = arith.constant 0 : i32
        %dma_start3A_575 = arith.constant 0 : i32
        %dma_start3A_576 = tpu.memref_slice %arg7[%dma_start3A_574, %dma_start3A_575] : memref<200x64xf32, #tpu.memory_space<vmem>> -> memref<128x64xf32, #tpu.memory_space<vmem>>
        %dma_start3A_577 = arith.constant 0 : i32
        %dma_start3A_578 = tpu.memref_slice %arg5[%add3A_573, %dma_start3A_577] : memref<128x200xi32, #tpu.memory_space<vmem>> -> memref<1x128xi32, #tpu.memory_space<vmem>>
        %dma_start3A_579 = tpu.memref_squeeze %dma_start3A_578 : memref<1x128xi32, #tpu.memory_space<vmem>> -> memref<128xi32, #tpu.memory_space<vmem>>
        %dma_start3A_580 = arith.constant 0 : i32
        %dma_start3A_581 = arith.constant 0 : i32
        %dma_start3A_582 = tpu.memref_slice %arg3[%dma_start3A_580, %dma_start3A_581] : memref<1000000x64xf32, #tpu.memory_space<hbm>> -> memref<1000000x64xf32, #tpu.memory_space<hbm>>
        tpu.enqueue_indirect_dma source(%dma_start3A_582 : memref<1000000x64xf32, #tpu.memory_space<hbm>>) target(%dma_start3A_576 : memref<128x64xf32, #tpu.memory_space<vmem>>) offsets(%dma_start3A_579 : memref<128xi32, #tpu.memory_space<vmem>>) semaphore(%arg14 : memref<!tpu.dma_semaphore, #tpu.memory_space<semaphore_mem>>)
        %dma_start3A_583 = arith.constant 128 : i32
        %dma_start3A_584 = arith.constant 0 : i32
        %dma_start3A_585 = tpu.memref_slice %arg7[%dma_start3A_583, %dma_start3A_584] : memref<200x64xf32, #tpu.memory_space<vmem>> -> memref<72x64xf32, #tpu.memory_space<vmem>>
        %dma_start3A_586 = arith.constant 128 : i32
        %dma_start3A_587 = tpu.memref_slice %arg5[%add3A_573, %dma_start3A_586] : memref<128x200xi32, #tpu.memory_space<vmem>> -> memref<1x72xi32, #tpu.memory_space<vmem>>
        %dma_start3A_588 = tpu.memref_squeeze %dma_start3A_587 : memref<1x72xi32, #tpu.memory_space<vmem>> -> memref<72xi32, #tpu.memory_space<vmem>>
        %dma_start3A_589 = arith.constant 0 : i32
        %dma_start3A_590 = arith.constant 0 : i32
        %dma_start3A_591 = tpu.memref_slice %arg3[%dma_start3A_589, %dma_start3A_590] : memref<1000000x64xf32, #tpu.memory_space<hbm>> -> memref<1000000x64xf32, #tpu.memory_space<hbm>>
        tpu.enqueue_indirect_dma source(%dma_start3A_591 : memref<1000000x64xf32, #tpu.memory_space<hbm>>) target(%dma_start3A_585 : memref<72x64xf32, #tpu.memory_space<vmem>>) offsets(%dma_start3A_588 : memref<72xi32, #tpu.memory_space<vmem>>) semaphore(%arg14 : memref<!tpu.dma_semaphore, #tpu.memory_space<semaphore_mem>>)
      } else {
      }
      %add3A_342 = arith.constant 2 : i32
      %add3A_343 = arith.addi %mul3A_230, %add3A_342 : i32
      %dma_wait3A_344 = arith.constant 0 : i32
      %dma_wait3A_345 = arith.constant 0 : i32
      %dma_wait3A_346 = tpu.memref_slice %arg8[%dma_wait3A_344, %dma_wait3A_345] : memref<200x64xf32, #tpu.memory_space<vmem>> -> memref<128x64xf32, #tpu.memory_space<vmem>>
      %dma_wait3A_347 = arith.constant 0 : i32
      %dma_wait3A_348 = tpu.memref_slice %arg5[%add3A_343, %dma_wait3A_347] : memref<128x200xi32, #tpu.memory_space<vmem>> -> memref<1x128xi32, #tpu.memory_space<vmem>>
      %dma_wait3A_349 = tpu.memref_squeeze %dma_wait3A_348 : memref<1x128xi32, #tpu.memory_space<vmem>> -> memref<128xi32, #tpu.memory_space<vmem>>
      %dma_wait3A_350 = arith.constant 0 : i32
      %dma_wait3A_351 = arith.constant 0 : i32
      %dma_wait3A_352 = tpu.memref_slice %arg3[%dma_wait3A_350, %dma_wait3A_351] : memref<1000000x64xf32, #tpu.memory_space<hbm>> -> memref<1000000x64xf32, #tpu.memory_space<hbm>>
      tpu.wait_indirect_dma semaphore(%arg15 : memref<!tpu.dma_semaphore, #tpu.memory_space<semaphore_mem>>) src(%dma_wait3A_352 : memref<1000000x64xf32, #tpu.memory_space<hbm>>) dst(%dma_wait3A_346 : memref<128x64xf32, #tpu.memory_space<vmem>>)
      %dma_wait3A_353 = arith.constant 128 : i32
      %dma_wait3A_354 = arith.constant 0 : i32
      %dma_wait3A_355 = tpu.memref_slice %arg8[%dma_wait3A_353, %dma_wait3A_354] : memref<200x64xf32, #tpu.memory_space<vmem>> -> memref<72x64xf32, #tpu.memory_space<vmem>>
      %dma_wait3A_356 = arith.constant 128 : i32
      %dma_wait3A_357 = tpu.memref_slice %arg5[%add3A_343, %dma_wait3A_356] : memref<128x200xi32, #tpu.memory_space<vmem>> -> memref<1x72xi32, #tpu.memory_space<vmem>>
      %dma_wait3A_358 = tpu.memref_squeeze %dma_wait3A_357 : memref<1x72xi32, #tpu.memory_space<vmem>> -> memref<72xi32, #tpu.memory_space<vmem>>
      %dma_wait3A_359 = arith.constant 0 : i32
      %dma_wait3A_360 = arith.constant 0 : i32
      %dma_wait3A_361 = tpu.memref_slice %arg3[%dma_wait3A_359, %dma_wait3A_360] : memref<1000000x64xf32, #tpu.memory_space<hbm>> -> memref<1000000x64xf32, #tpu.memory_space<hbm>>
      tpu.wait_indirect_dma semaphore(%arg15 : memref<!tpu.dma_semaphore, #tpu.memory_space<semaphore_mem>>) src(%dma_wait3A_361 : memref<1000000x64xf32, #tpu.memory_space<hbm>>) dst(%dma_wait3A_355 : memref<72x64xf32, #tpu.memory_space<vmem>>)
      %broadcast_in_dim3A_362 = arith.constant 0.000000e+00 : f32
      %broadcast_in_dim3A_363 = vector.broadcast %broadcast_in_dim3A_362 : f32 to vector<16xf32>
      %scan3A_364 = arith.constant 0 : i32
      %scan3A_365 = arith.constant 200 : i32
      %scan3A_366 = arith.addi %scan3A_364, %scan3A_365 : i32
      %scan3A_367 = arith.constant 1 : i32
      %scan3A_368:4 = scf.for %scan3A_570 = %scan3A_364 to %scan3A_366 step %scan3A_367 iter_args(%scan3A_571 = %broadcast_in_dim3A_363, %scan3A_572 = %broadcast_in_dim3A_363, %scan3A_573 = %broadcast_in_dim3A_363, %scan3A_574 = %broadcast_in_dim3A_363) -> (vector<16xf32>, vector<16xf32>, vector<16xf32>, vector<16xf32>)  : i32 {
        %get3A = arith.index_cast %scan3A_570 : i32 to index
        %get3A_575 = arith.constant 0 : index
        %get3A_576 = tpu.vector_load %arg8[%get3A, %get3A_575] {strides = array<i32>} : memref<200x64xf32, #tpu.memory_space<vmem>>, vector<1x16xf32>,
        %get3A_577 = vector.shape_cast %get3A_576 : vector<1x16xf32> to vector<16xf32>
        %add3A_578 = arith.addf %scan3A_571, %get3A_577 : vector<16xf32>
        %get3A_579 = arith.index_cast %scan3A_570 : i32 to index
        %get3A_580 = arith.constant 16 : index
        %get3A_581 = tpu.vector_load %arg8[%get3A_579, %get3A_580] {strides = array<i32>} : memref<200x64xf32, #tpu.memory_space<vmem>>, vector<1x16xf32>,
        %get3A_582 = vector.shape_cast %get3A_581 : vector<1x16xf32> to vector<16xf32>
        %add3A_583 = arith.addf %scan3A_572, %get3A_582 : vector<16xf32>
        %get3A_584 = arith.index_cast %scan3A_570 : i32 to index
        %get3A_585 = arith.constant 32 : index
        %get3A_586 = tpu.vector_load %arg8[%get3A_584, %get3A_585] {strides = array<i32>} : memref<200x64xf32, #tpu.memory_space<vmem>>, vector<1x16xf32>,
        %get3A_587 = vector.shape_cast %get3A_586 : vector<1x16xf32> to vector<16xf32>
        %add3A_588 = arith.addf %scan3A_573, %get3A_587 : vector<16xf32>
        %get3A_589 = arith.index_cast %scan3A_570 : i32 to index
        %get3A_590 = arith.constant 48 : index
        %get3A_591 = tpu.vector_load %arg8[%get3A_589, %get3A_590] {strides = array<i32>} : memref<200x64xf32, #tpu.memory_space<vmem>>, vector<1x16xf32>,
        %get3A_592 = vector.shape_cast %get3A_591 : vector<1x16xf32> to vector<16xf32>
        %add3A_593 = arith.addf %scan3A_574, %get3A_592 : vector<16xf32>
        scf.yield %add3A_578, %add3A_583, %add3A_588, %add3A_593 : vector<16xf32>, vector<16xf32>, vector<16xf32>, vector<16xf32>
      }
      %scan3A_369 = arith.constant 200 : i32
      %swap3A_370 = arith.index_cast %add3A_343 : i32 to index
      %swap3A_371 = arith.constant 0 : index
      %swap3A_372 = tpu.vector_load %arg12[%swap3A_370, %swap3A_371] {strides = array<i32>} : memref<128x64xf32, #tpu.memory_space<vmem>>, vector<1x16xf32>,
      %swap3A_373 = vector.shape_cast %swap3A_372 : vector<1x16xf32> to vector<16xf32>
      %swap3A_374 = vector.shape_cast %scan3A_368#0 : vector<16xf32> to vector<1x16xf32>
      tpu.vector_store %arg12[%swap3A_370, %swap3A_371], %swap3A_374 {strides = array<i32>} : memref<128x64xf32, #tpu.memory_space<vmem>>, vector<1x16xf32>,
      %swap3A_375 = arith.index_cast %add3A_343 : i32 to index
      %swap3A_376 = arith.constant 16 : index
      %swap3A_377 = tpu.vector_load %arg12[%swap3A_375, %swap3A_376] {strides = array<i32>} : memref<128x64xf32, #tpu.memory_space<vmem>>, vector<1x16xf32>,
      %swap3A_378 = vector.shape_cast %swap3A_377 : vector<1x16xf32> to vector<16xf32>
      %swap3A_379 = vector.shape_cast %scan3A_368#1 : vector<16xf32> to vector<1x16xf32>
      tpu.vector_store %arg12[%swap3A_375, %swap3A_376], %swap3A_379 {strides = array<i32>} : memref<128x64xf32, #tpu.memory_space<vmem>>, vector<1x16xf32>,
      %swap3A_380 = arith.index_cast %add3A_343 : i32 to index
      %swap3A_381 = arith.constant 32 : index
      %swap3A_382 = tpu.vector_load %arg12[%swap3A_380, %swap3A_381] {strides = array<i32>} : memref<128x64xf32, #tpu.memory_space<vmem>>, vector<1x16xf32>,
      %swap3A_383 = vector.shape_cast %swap3A_382 : vector<1x16xf32> to vector<16xf32>
      %swap3A_384 = vector.shape_cast %scan3A_368#2 : vector<16xf32> to vector<1x16xf32>
      tpu.vector_store %arg12[%swap3A_380, %swap3A_381], %swap3A_384 {strides = array<i32>} : memref<128x64xf32, #tpu.memory_space<vmem>>, vector<1x16xf32>,
      %swap3A_385 = arith.index_cast %add3A_343 : i32 to index
      %swap3A_386 = arith.constant 48 : index
      %swap3A_387 = tpu.vector_load %arg12[%swap3A_385, %swap3A_386] {strides = array<i32>} : memref<128x64xf32, #tpu.memory_space<vmem>>, vector<1x16xf32>,
      %swap3A_388 = vector.shape_cast %swap3A_387 : vector<1x16xf32> to vector<16xf32>
      %swap3A_389 = vector.shape_cast %scan3A_368#3 : vector<16xf32> to vector<1x16xf32>
      tpu.vector_store %arg12[%swap3A_385, %swap3A_386], %swap3A_389 {strides = array<i32>} : memref<128x64xf32, #tpu.memory_space<vmem>>, vector<1x16xf32>,
      %add3A_390 = arith.constant 2 : i32
      %add3A_391 = arith.addi %mul3A_230, %add3A_390 : i32
      %add3A_392 = arith.constant 6 : i32
      %add3A_393 = arith.addi %add3A_391, %add3A_392 : i32
      %lt3A_394 = arith.constant 128 : i32
      %lt3A_395 = arith.cmpi slt, %add3A_393, %lt3A_394 : i32
      %convert_element_type3A_396 = arith.extui %lt3A_395 : i1 to i32
      %cond3A_397 = arith.constant 0 : i32
      %cond3A_398 = arith.cmpi ne, %convert_element_type3A_396, %cond3A_397 : i32
      scf.if %cond3A_398 {
        %add3A_570 = arith.constant 2 : i32
        %add3A_571 = arith.addi %mul3A_230, %add3A_570 : i32
        %add3A_572 = arith.constant 6 : i32
        %add3A_573 = arith.addi %add3A_571, %add3A_572 : i32
        %dma_start3A_574 = arith.constant 0 : i32
        %dma_start3A_575 = arith.constant 0 : i32
        %dma_start3A_576 = tpu.memref_slice %arg8[%dma_start3A_574, %dma_start3A_575] : memref<200x64xf32, #tpu.memory_space<vmem>> -> memref<128x64xf32, #tpu.memory_space<vmem>>
        %dma_start3A_577 = arith.constant 0 : i32
        %dma_start3A_578 = tpu.memref_slice %arg5[%add3A_573, %dma_start3A_577] : memref<128x200xi32, #tpu.memory_space<vmem>> -> memref<1x128xi32, #tpu.memory_space<vmem>>
        %dma_start3A_579 = tpu.memref_squeeze %dma_start3A_578 : memref<1x128xi32, #tpu.memory_space<vmem>> -> memref<128xi32, #tpu.memory_space<vmem>>
        %dma_start3A_580 = arith.constant 0 : i32
        %dma_start3A_581 = arith.constant 0 : i32
        %dma_start3A_582 = tpu.memref_slice %arg3[%dma_start3A_580, %dma_start3A_581] : memref<1000000x64xf32, #tpu.memory_space<hbm>> -> memref<1000000x64xf32, #tpu.memory_space<hbm>>
        tpu.enqueue_indirect_dma source(%dma_start3A_582 : memref<1000000x64xf32, #tpu.memory_space<hbm>>) target(%dma_start3A_576 : memref<128x64xf32, #tpu.memory_space<vmem>>) offsets(%dma_start3A_579 : memref<128xi32, #tpu.memory_space<vmem>>) semaphore(%arg15 : memref<!tpu.dma_semaphore, #tpu.memory_space<semaphore_mem>>)
        %dma_start3A_583 = arith.constant 128 : i32
        %dma_start3A_584 = arith.constant 0 : i32
        %dma_start3A_585 = tpu.memref_slice %arg8[%dma_start3A_583, %dma_start3A_584] : memref<200x64xf32, #tpu.memory_space<vmem>> -> memref<72x64xf32, #tpu.memory_space<vmem>>
        %dma_start3A_586 = arith.constant 128 : i32
        %dma_start3A_587 = tpu.memref_slice %arg5[%add3A_573, %dma_start3A_586] : memref<128x200xi32, #tpu.memory_space<vmem>> -> memref<1x72xi32, #tpu.memory_space<vmem>>
        %dma_start3A_588 = tpu.memref_squeeze %dma_start3A_587 : memref<1x72xi32, #tpu.memory_space<vmem>> -> memref<72xi32, #tpu.memory_space<vmem>>
        %dma_start3A_589 = arith.constant 0 : i32
        %dma_start3A_590 = arith.constant 0 : i32
        %dma_start3A_591 = tpu.memref_slice %arg3[%dma_start3A_589, %dma_start3A_590] : memref<1000000x64xf32, #tpu.memory_space<hbm>> -> memref<1000000x64xf32, #tpu.memory_space<hbm>>
        tpu.enqueue_indirect_dma source(%dma_start3A_591 : memref<1000000x64xf32, #tpu.memory_space<hbm>>) target(%dma_start3A_585 : memref<72x64xf32, #tpu.memory_space<vmem>>) offsets(%dma_start3A_588 : memref<72xi32, #tpu.memory_space<vmem>>) semaphore(%arg15 : memref<!tpu.dma_semaphore, #tpu.memory_space<semaphore_mem>>)
      } else {
      }
      %add3A_399 = arith.constant 3 : i32
      %add3A_400 = arith.addi %mul3A_230, %add3A_399 : i32
      %dma_wait3A_401 = arith.constant 0 : i32
      %dma_wait3A_402 = arith.constant 0 : i32
      %dma_wait3A_403 = tpu.memref_slice %arg9[%dma_wait3A_401, %dma_wait3A_402] : memref<200x64xf32, #tpu.memory_space<vmem>> -> memref<128x64xf32, #tpu.memory_space<vmem>>
      %dma_wait3A_404 = arith.constant 0 : i32
      %dma_wait3A_405 = tpu.memref_slice %arg5[%add3A_400, %dma_wait3A_404] : memref<128x200xi32, #tpu.memory_space<vmem>> -> memref<1x128xi32, #tpu.memory_space<vmem>>
      %dma_wait3A_406 = tpu.memref_squeeze %dma_wait3A_405 : memref<1x128xi32, #tpu.memory_space<vmem>> -> memref<128xi32, #tpu.memory_space<vmem>>
      %dma_wait3A_407 = arith.constant 0 : i32
      %dma_wait3A_408 = arith.constant 0 : i32
      %dma_wait3A_409 = tpu.memref_slice %arg3[%dma_wait3A_407, %dma_wait3A_408] : memref<1000000x64xf32, #tpu.memory_space<hbm>> -> memref<1000000x64xf32, #tpu.memory_space<hbm>>
      tpu.wait_indirect_dma semaphore(%arg16 : memref<!tpu.dma_semaphore, #tpu.memory_space<semaphore_mem>>) src(%dma_wait3A_409 : memref<1000000x64xf32, #tpu.memory_space<hbm>>) dst(%dma_wait3A_403 : memref<128x64xf32, #tpu.memory_space<vmem>>)
      %dma_wait3A_410 = arith.constant 128 : i32
      %dma_wait3A_411 = arith.constant 0 : i32
      %dma_wait3A_412 = tpu.memref_slice %arg9[%dma_wait3A_410, %dma_wait3A_411] : memref<200x64xf32, #tpu.memory_space<vmem>> -> memref<72x64xf32, #tpu.memory_space<vmem>>
      %dma_wait3A_413 = arith.constant 128 : i32
      %dma_wait3A_414 = tpu.memref_slice %arg5[%add3A_400, %dma_wait3A_413] : memref<128x200xi32, #tpu.memory_space<vmem>> -> memref<1x72xi32, #tpu.memory_space<vmem>>
      %dma_wait3A_415 = tpu.memref_squeeze %dma_wait3A_414 : memref<1x72xi32, #tpu.memory_space<vmem>> -> memref<72xi32, #tpu.memory_space<vmem>>
      %dma_wait3A_416 = arith.constant 0 : i32
      %dma_wait3A_417 = arith.constant 0 : i32
      %dma_wait3A_418 = tpu.memref_slice %arg3[%dma_wait3A_416, %dma_wait3A_417] : memref<1000000x64xf32, #tpu.memory_space<hbm>> -> memref<1000000x64xf32, #tpu.memory_space<hbm>>
      tpu.wait_indirect_dma semaphore(%arg16 : memref<!tpu.dma_semaphore, #tpu.memory_space<semaphore_mem>>) src(%dma_wait3A_418 : memref<1000000x64xf32, #tpu.memory_space<hbm>>) dst(%dma_wait3A_412 : memref<72x64xf32, #tpu.memory_space<vmem>>)
      %broadcast_in_dim3A_419 = arith.constant 0.000000e+00 : f32
      %broadcast_in_dim3A_420 = vector.broadcast %broadcast_in_dim3A_419 : f32 to vector<16xf32>
      %scan3A_421 = arith.constant 0 : i32
      %scan3A_422 = arith.constant 200 : i32
      %scan3A_423 = arith.addi %scan3A_421, %scan3A_422 : i32
      %scan3A_424 = arith.constant 1 : i32
      %scan3A_425:4 = scf.for %scan3A_570 = %scan3A_421 to %scan3A_423 step %scan3A_424 iter_args(%scan3A_571 = %broadcast_in_dim3A_420, %scan3A_572 = %broadcast_in_dim3A_420, %scan3A_573 = %broadcast_in_dim3A_420, %scan3A_574 = %broadcast_in_dim3A_420) -> (vector<16xf32>, vector<16xf32>, vector<16xf32>, vector<16xf32>)  : i32 {
        %get3A = arith.index_cast %scan3A_570 : i32 to index
        %get3A_575 = arith.constant 0 : index
        %get3A_576 = tpu.vector_load %arg9[%get3A, %get3A_575] {strides = array<i32>} : memref<200x64xf32, #tpu.memory_space<vmem>>, vector<1x16xf32>,
        %get3A_577 = vector.shape_cast %get3A_576 : vector<1x16xf32> to vector<16xf32>
        %add3A_578 = arith.addf %scan3A_571, %get3A_577 : vector<16xf32>
        %get3A_579 = arith.index_cast %scan3A_570 : i32 to index
        %get3A_580 = arith.constant 16 : index
        %get3A_581 = tpu.vector_load %arg9[%get3A_579, %get3A_580] {strides = array<i32>} : memref<200x64xf32, #tpu.memory_space<vmem>>, vector<1x16xf32>,
        %get3A_582 = vector.shape_cast %get3A_581 : vector<1x16xf32> to vector<16xf32>
        %add3A_583 = arith.addf %scan3A_572, %get3A_582 : vector<16xf32>
        %get3A_584 = arith.index_cast %scan3A_570 : i32 to index
        %get3A_585 = arith.constant 32 : index
        %get3A_586 = tpu.vector_load %arg9[%get3A_584, %get3A_585] {strides = array<i32>} : memref<200x64xf32, #tpu.memory_space<vmem>>, vector<1x16xf32>,
        %get3A_587 = vector.shape_cast %get3A_586 : vector<1x16xf32> to vector<16xf32>
        %add3A_588 = arith.addf %scan3A_573, %get3A_587 : vector<16xf32>
        %get3A_589 = arith.index_cast %scan3A_570 : i32 to index
        %get3A_590 = arith.constant 48 : index
        %get3A_591 = tpu.vector_load %arg9[%get3A_589, %get3A_590] {strides = array<i32>} : memref<200x64xf32, #tpu.memory_space<vmem>>, vector<1x16xf32>,
        %get3A_592 = vector.shape_cast %get3A_591 : vector<1x16xf32> to vector<16xf32>
        %add3A_593 = arith.addf %scan3A_574, %get3A_592 : vector<16xf32>
        scf.yield %add3A_578, %add3A_583, %add3A_588, %add3A_593 : vector<16xf32>, vector<16xf32>, vector<16xf32>, vector<16xf32>
      }
      %scan3A_426 = arith.constant 200 : i32
      %swap3A_427 = arith.index_cast %add3A_400 : i32 to index
      %swap3A_428 = arith.constant 0 : index
      %swap3A_429 = tpu.vector_load %arg12[%swap3A_427, %swap3A_428] {strides = array<i32>} : memref<128x64xf32, #tpu.memory_space<vmem>>, vector<1x16xf32>,
      %swap3A_430 = vector.shape_cast %swap3A_429 : vector<1x16xf32> to vector<16xf32>
      %swap3A_431 = vector.shape_cast %scan3A_425#0 : vector<16xf32> to vector<1x16xf32>
      tpu.vector_store %arg12[%swap3A_427, %swap3A_428], %swap3A_431 {strides = array<i32>} : memref<128x64xf32, #tpu.memory_space<vmem>>, vector<1x16xf32>,
      %swap3A_432 = arith.index_cast %add3A_400 : i32 to index
      %swap3A_433 = arith.constant 16 : index
      %swap3A_434 = tpu.vector_load %arg12[%swap3A_432, %swap3A_433] {strides = array<i32>} : memref<128x64xf32, #tpu.memory_space<vmem>>, vector<1x16xf32>,
      %swap3A_435 = vector.shape_cast %swap3A_434 : vector<1x16xf32> to vector<16xf32>
      %swap3A_436 = vector.shape_cast %scan3A_425#1 : vector<16xf32> to vector<1x16xf32>
      tpu.vector_store %arg12[%swap3A_432, %swap3A_433], %swap3A_436 {strides = array<i32>} : memref<128x64xf32, #tpu.memory_space<vmem>>, vector<1x16xf32>,
      %swap3A_437 = arith.index_cast %add3A_400 : i32 to index
      %swap3A_438 = arith.constant 32 : index
      %swap3A_439 = tpu.vector_load %arg12[%swap3A_437, %swap3A_438] {strides = array<i32>} : memref<128x64xf32, #tpu.memory_space<vmem>>, vector<1x16xf32>,
      %swap3A_440 = vector.shape_cast %swap3A_439 : vector<1x16xf32> to vector<16xf32>
      %swap3A_441 = vector.shape_cast %scan3A_425#2 : vector<16xf32> to vector<1x16xf32>
      tpu.vector_store %arg12[%swap3A_437, %swap3A_438], %swap3A_441 {strides = array<i32>} : memref<128x64xf32, #tpu.memory_space<vmem>>, vector<1x16xf32>,
      %swap3A_442 = arith.index_cast %add3A_400 : i32 to index
      %swap3A_443 = arith.constant 48 : index
      %swap3A_444 = tpu.vector_load %arg12[%swap3A_442, %swap3A_443] {strides = array<i32>} : memref<128x64xf32, #tpu.memory_space<vmem>>, vector<1x16xf32>,
      %swap3A_445 = vector.shape_cast %swap3A_444 : vector<1x16xf32> to vector<16xf32>
      %swap3A_446 = vector.shape_cast %scan3A_425#3 : vector<16xf32> to vector<1x16xf32>
      tpu.vector_store %arg12[%swap3A_442, %swap3A_443], %swap3A_446 {strides = array<i32>} : memref<128x64xf32, #tpu.memory_space<vmem>>, vector<1x16xf32>,
      %add3A_447 = arith.constant 3 : i32
      %add3A_448 = arith.addi %mul3A_230, %add3A_447 : i32
      %add3A_449 = arith.constant 6 : i32
      %add3A_450 = arith.addi %add3A_448, %add3A_449 : i32
      %lt3A_451 = arith.constant 128 : i32
      %lt3A_452 = arith.cmpi slt, %add3A_450, %lt3A_451 : i32
      %convert_element_type3A_453 = arith.extui %lt3A_452 : i1 to i32
      %cond3A_454 = arith.constant 0 : i32
      %cond3A_455 = arith.cmpi ne, %convert_element_type3A_453, %cond3A_454 : i32
      scf.if %cond3A_455 {
        %add3A_570 = arith.constant 3 : i32
        %add3A_571 = arith.addi %mul3A_230, %add3A_570 : i32
        %add3A_572 = arith.constant 6 : i32
        %add3A_573 = arith.addi %add3A_571, %add3A_572 : i32
        %dma_start3A_574 = arith.constant 0 : i32
        %dma_start3A_575 = arith.constant 0 : i32
        %dma_start3A_576 = tpu.memref_slice %arg9[%dma_start3A_574, %dma_start3A_575] : memref<200x64xf32, #tpu.memory_space<vmem>> -> memref<128x64xf32, #tpu.memory_space<vmem>>
        %dma_start3A_577 = arith.constant 0 : i32
        %dma_start3A_578 = tpu.memref_slice %arg5[%add3A_573, %dma_start3A_577] : memref<128x200xi32, #tpu.memory_space<vmem>> -> memref<1x128xi32, #tpu.memory_space<vmem>>
        %dma_start3A_579 = tpu.memref_squeeze %dma_start3A_578 : memref<1x128xi32, #tpu.memory_space<vmem>> -> memref<128xi32, #tpu.memory_space<vmem>>
        %dma_start3A_580 = arith.constant 0 : i32
        %dma_start3A_581 = arith.constant 0 : i32
        %dma_start3A_582 = tpu.memref_slice %arg3[%dma_start3A_580, %dma_start3A_581] : memref<1000000x64xf32, #tpu.memory_space<hbm>> -> memref<1000000x64xf32, #tpu.memory_space<hbm>>
        tpu.enqueue_indirect_dma source(%dma_start3A_582 : memref<1000000x64xf32, #tpu.memory_space<hbm>>) target(%dma_start3A_576 : memref<128x64xf32, #tpu.memory_space<vmem>>) offsets(%dma_start3A_579 : memref<128xi32, #tpu.memory_space<vmem>>) semaphore(%arg16 : memref<!tpu.dma_semaphore, #tpu.memory_space<semaphore_mem>>)
        %dma_start3A_583 = arith.constant 128 : i32
        %dma_start3A_584 = arith.constant 0 : i32
        %dma_start3A_585 = tpu.memref_slice %arg9[%dma_start3A_583, %dma_start3A_584] : memref<200x64xf32, #tpu.memory_space<vmem>> -> memref<72x64xf32, #tpu.memory_space<vmem>>
        %dma_start3A_586 = arith.constant 128 : i32
        %dma_start3A_587 = tpu.memref_slice %arg5[%add3A_573, %dma_start3A_586] : memref<128x200xi32, #tpu.memory_space<vmem>> -> memref<1x72xi32, #tpu.memory_space<vmem>>
        %dma_start3A_588 = tpu.memref_squeeze %dma_start3A_587 : memref<1x72xi32, #tpu.memory_space<vmem>> -> memref<72xi32, #tpu.memory_space<vmem>>
        %dma_start3A_589 = arith.constant 0 : i32
        %dma_start3A_590 = arith.constant 0 : i32
        %dma_start3A_591 = tpu.memref_slice %arg3[%dma_start3A_589, %dma_start3A_590] : memref<1000000x64xf32, #tpu.memory_space<hbm>> -> memref<1000000x64xf32, #tpu.memory_space<hbm>>
        tpu.enqueue_indirect_dma source(%dma_start3A_591 : memref<1000000x64xf32, #tpu.memory_space<hbm>>) target(%dma_start3A_585 : memref<72x64xf32, #tpu.memory_space<vmem>>) offsets(%dma_start3A_588 : memref<72xi32, #tpu.memory_space<vmem>>) semaphore(%arg16 : memref<!tpu.dma_semaphore, #tpu.memory_space<semaphore_mem>>)
      } else {
      }
      %add3A_456 = arith.constant 4 : i32
      %add3A_457 = arith.addi %mul3A_230, %add3A_456 : i32
      %dma_wait3A_458 = arith.constant 0 : i32
      %dma_wait3A_459 = arith.constant 0 : i32
      %dma_wait3A_460 = tpu.memref_slice %arg10[%dma_wait3A_458, %dma_wait3A_459] : memref<200x64xf32, #tpu.memory_space<vmem>> -> memref<128x64xf32, #tpu.memory_space<vmem>>
      %dma_wait3A_461 = arith.constant 0 : i32
      %dma_wait3A_462 = tpu.memref_slice %arg5[%add3A_457, %dma_wait3A_461] : memref<128x200xi32, #tpu.memory_space<vmem>> -> memref<1x128xi32, #tpu.memory_space<vmem>>
      %dma_wait3A_463 = tpu.memref_squeeze %dma_wait3A_462 : memref<1x128xi32, #tpu.memory_space<vmem>> -> memref<128xi32, #tpu.memory_space<vmem>>
      %dma_wait3A_464 = arith.constant 0 : i32
      %dma_wait3A_465 = arith.constant 0 : i32
      %dma_wait3A_466 = tpu.memref_slice %arg3[%dma_wait3A_464, %dma_wait3A_465] : memref<1000000x64xf32, #tpu.memory_space<hbm>> -> memref<1000000x64xf32, #tpu.memory_space<hbm>>
      tpu.wait_indirect_dma semaphore(%arg17 : memref<!tpu.dma_semaphore, #tpu.memory_space<semaphore_mem>>) src(%dma_wait3A_466 : memref<1000000x64xf32, #tpu.memory_space<hbm>>) dst(%dma_wait3A_460 : memref<128x64xf32, #tpu.memory_space<vmem>>)
      %dma_wait3A_467 = arith.constant 128 : i32
      %dma_wait3A_468 = arith.constant 0 : i32
      %dma_wait3A_469 = tpu.memref_slice %arg10[%dma_wait3A_467, %dma_wait3A_468] : memref<200x64xf32, #tpu.memory_space<vmem>> -> memref<72x64xf32, #tpu.memory_space<vmem>>
      %dma_wait3A_470 = arith.constant 128 : i32
      %dma_wait3A_471 = tpu.memref_slice %arg5[%add3A_457, %dma_wait3A_470] : memref<128x200xi32, #tpu.memory_space<vmem>> -> memref<1x72xi32, #tpu.memory_space<vmem>>
      %dma_wait3A_472 = tpu.memref_squeeze %dma_wait3A_471 : memref<1x72xi32, #tpu.memory_space<vmem>> -> memref<72xi32, #tpu.memory_space<vmem>>
      %dma_wait3A_473 = arith.constant 0 : i32
      %dma_wait3A_474 = arith.constant 0 : i32
      %dma_wait3A_475 = tpu.memref_slice %arg3[%dma_wait3A_473, %dma_wait3A_474] : memref<1000000x64xf32, #tpu.memory_space<hbm>> -> memref<1000000x64xf32, #tpu.memory_space<hbm>>
      tpu.wait_indirect_dma semaphore(%arg17 : memref<!tpu.dma_semaphore, #tpu.memory_space<semaphore_mem>>) src(%dma_wait3A_475 : memref<1000000x64xf32, #tpu.memory_space<hbm>>) dst(%dma_wait3A_469 : memref<72x64xf32, #tpu.memory_space<vmem>>)
      %broadcast_in_dim3A_476 = arith.constant 0.000000e+00 : f32
      %broadcast_in_dim3A_477 = vector.broadcast %broadcast_in_dim3A_476 : f32 to vector<16xf32>
      %scan3A_478 = arith.constant 0 : i32
      %scan3A_479 = arith.constant 200 : i32
      %scan3A_480 = arith.addi %scan3A_478, %scan3A_479 : i32
      %scan3A_481 = arith.constant 1 : i32
      %scan3A_482:4 = scf.for %scan3A_570 = %scan3A_478 to %scan3A_480 step %scan3A_481 iter_args(%scan3A_571 = %broadcast_in_dim3A_477, %scan3A_572 = %broadcast_in_dim3A_477, %scan3A_573 = %broadcast_in_dim3A_477, %scan3A_574 = %broadcast_in_dim3A_477) -> (vector<16xf32>, vector<16xf32>, vector<16xf32>, vector<16xf32>)  : i32 {
        %get3A = arith.index_cast %scan3A_570 : i32 to index
        %get3A_575 = arith.constant 0 : index
        %get3A_576 = tpu.vector_load %arg10[%get3A, %get3A_575] {strides = array<i32>} : memref<200x64xf32, #tpu.memory_space<vmem>>, vector<1x16xf32>,
        %get3A_577 = vector.shape_cast %get3A_576 : vector<1x16xf32> to vector<16xf32>
        %add3A_578 = arith.addf %scan3A_571, %get3A_577 : vector<16xf32>
        %get3A_579 = arith.index_cast %scan3A_570 : i32 to index
        %get3A_580 = arith.constant 16 : index
        %get3A_581 = tpu.vector_load %arg10[%get3A_579, %get3A_580] {strides = array<i32>} : memref<200x64xf32, #tpu.memory_space<vmem>>, vector<1x16xf32>,
        %get3A_582 = vector.shape_cast %get3A_581 : vector<1x16xf32> to vector<16xf32>
        %add3A_583 = arith.addf %scan3A_572, %get3A_582 : vector<16xf32>
        %get3A_584 = arith.index_cast %scan3A_570 : i32 to index
        %get3A_585 = arith.constant 32 : index
        %get3A_586 = tpu.vector_load %arg10[%get3A_584, %get3A_585] {strides = array<i32>} : memref<200x64xf32, #tpu.memory_space<vmem>>, vector<1x16xf32>,
        %get3A_587 = vector.shape_cast %get3A_586 : vector<1x16xf32> to vector<16xf32>
        %add3A_588 = arith.addf %scan3A_573, %get3A_587 : vector<16xf32>
        %get3A_589 = arith.index_cast %scan3A_570 : i32 to index
        %get3A_590 = arith.constant 48 : index
        %get3A_591 = tpu.vector_load %arg10[%get3A_589, %get3A_590] {strides = array<i32>} : memref<200x64xf32, #tpu.memory_space<vmem>>, vector<1x16xf32>,
        %get3A_592 = vector.shape_cast %get3A_591 : vector<1x16xf32> to vector<16xf32>
        %add3A_593 = arith.addf %scan3A_574, %get3A_592 : vector<16xf32>
        scf.yield %add3A_578, %add3A_583, %add3A_588, %add3A_593 : vector<16xf32>, vector<16xf32>, vector<16xf32>, vector<16xf32>
      }
      %scan3A_483 = arith.constant 200 : i32
      %swap3A_484 = arith.index_cast %add3A_457 : i32 to index
      %swap3A_485 = arith.constant 0 : index
      %swap3A_486 = tpu.vector_load %arg12[%swap3A_484, %swap3A_485] {strides = array<i32>} : memref<128x64xf32, #tpu.memory_space<vmem>>, vector<1x16xf32>,
      %swap3A_487 = vector.shape_cast %swap3A_486 : vector<1x16xf32> to vector<16xf32>
      %swap3A_488 = vector.shape_cast %scan3A_482#0 : vector<16xf32> to vector<1x16xf32>
      tpu.vector_store %arg12[%swap3A_484, %swap3A_485], %swap3A_488 {strides = array<i32>} : memref<128x64xf32, #tpu.memory_space<vmem>>, vector<1x16xf32>,
      %swap3A_489 = arith.index_cast %add3A_457 : i32 to index
      %swap3A_490 = arith.constant 16 : index
      %swap3A_491 = tpu.vector_load %arg12[%swap3A_489, %swap3A_490] {strides = array<i32>} : memref<128x64xf32, #tpu.memory_space<vmem>>, vector<1x16xf32>,
      %swap3A_492 = vector.shape_cast %swap3A_491 : vector<1x16xf32> to vector<16xf32>
      %swap3A_493 = vector.shape_cast %scan3A_482#1 : vector<16xf32> to vector<1x16xf32>
      tpu.vector_store %arg12[%swap3A_489, %swap3A_490], %swap3A_493 {strides = array<i32>} : memref<128x64xf32, #tpu.memory_space<vmem>>, vector<1x16xf32>,
      %swap3A_494 = arith.index_cast %add3A_457 : i32 to index
      %swap3A_495 = arith.constant 32 : index
      %swap3A_496 = tpu.vector_load %arg12[%swap3A_494, %swap3A_495] {strides = array<i32>} : memref<128x64xf32, #tpu.memory_space<vmem>>, vector<1x16xf32>,
      %swap3A_497 = vector.shape_cast %swap3A_496 : vector<1x16xf32> to vector<16xf32>
      %swap3A_498 = vector.shape_cast %scan3A_482#2 : vector<16xf32> to vector<1x16xf32>
      tpu.vector_store %arg12[%swap3A_494, %swap3A_495], %swap3A_498 {strides = array<i32>} : memref<128x64xf32, #tpu.memory_space<vmem>>, vector<1x16xf32>,
      %swap3A_499 = arith.index_cast %add3A_457 : i32 to index
      %swap3A_500 = arith.constant 48 : index
      %swap3A_501 = tpu.vector_load %arg12[%swap3A_499, %swap3A_500] {strides = array<i32>} : memref<128x64xf32, #tpu.memory_space<vmem>>, vector<1x16xf32>,
      %swap3A_502 = vector.shape_cast %swap3A_501 : vector<1x16xf32> to vector<16xf32>
      %swap3A_503 = vector.shape_cast %scan3A_482#3 : vector<16xf32> to vector<1x16xf32>
      tpu.vector_store %arg12[%swap3A_499, %swap3A_500], %swap3A_503 {strides = array<i32>} : memref<128x64xf32, #tpu.memory_space<vmem>>, vector<1x16xf32>,
      %add3A_504 = arith.constant 4 : i32
      %add3A_505 = arith.addi %mul3A_230, %add3A_504 : i32
      %add3A_506 = arith.constant 6 : i32
      %add3A_507 = arith.addi %add3A_505, %add3A_506 : i32
      %lt3A_508 = arith.constant 128 : i32
      %lt3A_509 = arith.cmpi slt, %add3A_507, %lt3A_508 : i32
      %convert_element_type3A_510 = arith.extui %lt3A_509 : i1 to i32
      %cond3A_511 = arith.constant 0 : i32
      %cond3A_512 = arith.cmpi ne, %convert_element_type3A_510, %cond3A_511 : i32
      scf.if %cond3A_512 {
        %add3A_570 = arith.constant 4 : i32
        %add3A_571 = arith.addi %mul3A_230, %add3A_570 : i32
        %add3A_572 = arith.constant 6 : i32
        %add3A_573 = arith.addi %add3A_571, %add3A_572 : i32
        %dma_start3A_574 = arith.constant 0 : i32
        %dma_start3A_575 = arith.constant 0 : i32
        %dma_start3A_576 = tpu.memref_slice %arg10[%dma_start3A_574, %dma_start3A_575] : memref<200x64xf32, #tpu.memory_space<vmem>> -> memref<128x64xf32, #tpu.memory_space<vmem>>
        %dma_start3A_577 = arith.constant 0 : i32
        %dma_start3A_578 = tpu.memref_slice %arg5[%add3A_573, %dma_start3A_577] : memref<128x200xi32, #tpu.memory_space<vmem>> -> memref<1x128xi32, #tpu.memory_space<vmem>>
        %dma_start3A_579 = tpu.memref_squeeze %dma_start3A_578 : memref<1x128xi32, #tpu.memory_space<vmem>> -> memref<128xi32, #tpu.memory_space<vmem>>
        %dma_start3A_580 = arith.constant 0 : i32
        %dma_start3A_581 = arith.constant 0 : i32
        %dma_start3A_582 = tpu.memref_slice %arg3[%dma_start3A_580, %dma_start3A_581] : memref<1000000x64xf32, #tpu.memory_space<hbm>> -> memref<1000000x64xf32, #tpu.memory_space<hbm>>
        tpu.enqueue_indirect_dma source(%dma_start3A_582 : memref<1000000x64xf32, #tpu.memory_space<hbm>>) target(%dma_start3A_576 : memref<128x64xf32, #tpu.memory_space<vmem>>) offsets(%dma_start3A_579 : memref<128xi32, #tpu.memory_space<vmem>>) semaphore(%arg17 : memref<!tpu.dma_semaphore, #tpu.memory_space<semaphore_mem>>)
        %dma_start3A_583 = arith.constant 128 : i32
        %dma_start3A_584 = arith.constant 0 : i32
        %dma_start3A_585 = tpu.memref_slice %arg10[%dma_start3A_583, %dma_start3A_584] : memref<200x64xf32, #tpu.memory_space<vmem>> -> memref<72x64xf32, #tpu.memory_space<vmem>>
        %dma_start3A_586 = arith.constant 128 : i32
        %dma_start3A_587 = tpu.memref_slice %arg5[%add3A_573, %dma_start3A_586] : memref<128x200xi32, #tpu.memory_space<vmem>> -> memref<1x72xi32, #tpu.memory_space<vmem>>
        %dma_start3A_588 = tpu.memref_squeeze %dma_start3A_587 : memref<1x72xi32, #tpu.memory_space<vmem>> -> memref<72xi32, #tpu.memory_space<vmem>>
        %dma_start3A_589 = arith.constant 0 : i32
        %dma_start3A_590 = arith.constant 0 : i32
        %dma_start3A_591 = tpu.memref_slice %arg3[%dma_start3A_589, %dma_start3A_590] : memref<1000000x64xf32, #tpu.memory_space<hbm>> -> memref<1000000x64xf32, #tpu.memory_space<hbm>>
        tpu.enqueue_indirect_dma source(%dma_start3A_591 : memref<1000000x64xf32, #tpu.memory_space<hbm>>) target(%dma_start3A_585 : memref<72x64xf32, #tpu.memory_space<vmem>>) offsets(%dma_start3A_588 : memref<72xi32, #tpu.memory_space<vmem>>) semaphore(%arg17 : memref<!tpu.dma_semaphore, #tpu.memory_space<semaphore_mem>>)
      } else {
      }
      %add3A_513 = arith.constant 5 : i32
      %add3A_514 = arith.addi %mul3A_230, %add3A_513 : i32
      %dma_wait3A_515 = arith.constant 0 : i32
      %dma_wait3A_516 = arith.constant 0 : i32
      %dma_wait3A_517 = tpu.memref_slice %arg11[%dma_wait3A_515, %dma_wait3A_516] : memref<200x64xf32, #tpu.memory_space<vmem>> -> memref<128x64xf32, #tpu.memory_space<vmem>>
      %dma_wait3A_518 = arith.constant 0 : i32
      %dma_wait3A_519 = tpu.memref_slice %arg5[%add3A_514, %dma_wait3A_518] : memref<128x200xi32, #tpu.memory_space<vmem>> -> memref<1x128xi32, #tpu.memory_space<vmem>>
      %dma_wait3A_520 = tpu.memref_squeeze %dma_wait3A_519 : memref<1x128xi32, #tpu.memory_space<vmem>> -> memref<128xi32, #tpu.memory_space<vmem>>
      %dma_wait3A_521 = arith.constant 0 : i32
      %dma_wait3A_522 = arith.constant 0 : i32
      %dma_wait3A_523 = tpu.memref_slice %arg3[%dma_wait3A_521, %dma_wait3A_522] : memref<1000000x64xf32, #tpu.memory_space<hbm>> -> memref<1000000x64xf32, #tpu.memory_space<hbm>>
      tpu.wait_indirect_dma semaphore(%arg18 : memref<!tpu.dma_semaphore, #tpu.memory_space<semaphore_mem>>) src(%dma_wait3A_523 : memref<1000000x64xf32, #tpu.memory_space<hbm>>) dst(%dma_wait3A_517 : memref<128x64xf32, #tpu.memory_space<vmem>>)
      %dma_wait3A_524 = arith.constant 128 : i32
      %dma_wait3A_525 = arith.constant 0 : i32
      %dma_wait3A_526 = tpu.memref_slice %arg11[%dma_wait3A_524, %dma_wait3A_525] : memref<200x64xf32, #tpu.memory_space<vmem>> -> memref<72x64xf32, #tpu.memory_space<vmem>>
      %dma_wait3A_527 = arith.constant 128 : i32
      %dma_wait3A_528 = tpu.memref_slice %arg5[%add3A_514, %dma_wait3A_527] : memref<128x200xi32, #tpu.memory_space<vmem>> -> memref<1x72xi32, #tpu.memory_space<vmem>>
      %dma_wait3A_529 = tpu.memref_squeeze %dma_wait3A_528 : memref<1x72xi32, #tpu.memory_space<vmem>> -> memref<72xi32, #tpu.memory_space<vmem>>
      %dma_wait3A_530 = arith.constant 0 : i32
      %dma_wait3A_531 = arith.constant 0 : i32
      %dma_wait3A_532 = tpu.memref_slice %arg3[%dma_wait3A_530, %dma_wait3A_531] : memref<1000000x64xf32, #tpu.memory_space<hbm>> -> memref<1000000x64xf32, #tpu.memory_space<hbm>>
      tpu.wait_indirect_dma semaphore(%arg18 : memref<!tpu.dma_semaphore, #tpu.memory_space<semaphore_mem>>) src(%dma_wait3A_532 : memref<1000000x64xf32, #tpu.memory_space<hbm>>) dst(%dma_wait3A_526 : memref<72x64xf32, #tpu.memory_space<vmem>>)
      %broadcast_in_dim3A_533 = arith.constant 0.000000e+00 : f32
      %broadcast_in_dim3A_534 = vector.broadcast %broadcast_in_dim3A_533 : f32 to vector<16xf32>
      %scan3A_535 = arith.constant 0 : i32
      %scan3A_536 = arith.constant 200 : i32
      %scan3A_537 = arith.addi %scan3A_535, %scan3A_536 : i32
      %scan3A_538 = arith.constant 1 : i32
      %scan3A_539:4 = scf.for %scan3A_570 = %scan3A_535 to %scan3A_537 step %scan3A_538 iter_args(%scan3A_571 = %broadcast_in_dim3A_534, %scan3A_572 = %broadcast_in_dim3A_534, %scan3A_573 = %broadcast_in_dim3A_534, %scan3A_574 = %broadcast_in_dim3A_534) -> (vector<16xf32>, vector<16xf32>, vector<16xf32>, vector<16xf32>)  : i32 {
        %get3A = arith.index_cast %scan3A_570 : i32 to index
        %get3A_575 = arith.constant 0 : index
        %get3A_576 = tpu.vector_load %arg11[%get3A, %get3A_575] {strides = array<i32>} : memref<200x64xf32, #tpu.memory_space<vmem>>, vector<1x16xf32>,
        %get3A_577 = vector.shape_cast %get3A_576 : vector<1x16xf32> to vector<16xf32>
        %add3A_578 = arith.addf %scan3A_571, %get3A_577 : vector<16xf32>
        %get3A_579 = arith.index_cast %scan3A_570 : i32 to index
        %get3A_580 = arith.constant 16 : index
        %get3A_581 = tpu.vector_load %arg11[%get3A_579, %get3A_580] {strides = array<i32>} : memref<200x64xf32, #tpu.memory_space<vmem>>, vector<1x16xf32>,
        %get3A_582 = vector.shape_cast %get3A_581 : vector<1x16xf32> to vector<16xf32>
        %add3A_583 = arith.addf %scan3A_572, %get3A_582 : vector<16xf32>
        %get3A_584 = arith.index_cast %scan3A_570 : i32 to index
        %get3A_585 = arith.constant 32 : index
        %get3A_586 = tpu.vector_load %arg11[%get3A_584, %get3A_585] {strides = array<i32>} : memref<200x64xf32, #tpu.memory_space<vmem>>, vector<1x16xf32>,
        %get3A_587 = vector.shape_cast %get3A_586 : vector<1x16xf32> to vector<16xf32>
        %add3A_588 = arith.addf %scan3A_573, %get3A_587 : vector<16xf32>
        %get3A_589 = arith.index_cast %scan3A_570 : i32 to index
        %get3A_590 = arith.constant 48 : index
        %get3A_591 = tpu.vector_load %arg11[%get3A_589, %get3A_590] {strides = array<i32>} : memref<200x64xf32, #tpu.memory_space<vmem>>, vector<1x16xf32>,
        %get3A_592 = vector.shape_cast %get3A_591 : vector<1x16xf32> to vector<16xf32>
        %add3A_593 = arith.addf %scan3A_574, %get3A_592 : vector<16xf32>
        scf.yield %add3A_578, %add3A_583, %add3A_588, %add3A_593 : vector<16xf32>, vector<16xf32>, vector<16xf32>, vector<16xf32>
      }
      %scan3A_540 = arith.constant 200 : i32
      %swap3A_541 = arith.index_cast %add3A_514 : i32 to index
      %swap3A_542 = arith.constant 0 : index
      %swap3A_543 = tpu.vector_load %arg12[%swap3A_541, %swap3A_542] {strides = array<i32>} : memref<128x64xf32, #tpu.memory_space<vmem>>, vector<1x16xf32>,
      %swap3A_544 = vector.shape_cast %swap3A_543 : vector<1x16xf32> to vector<16xf32>
      %swap3A_545 = vector.shape_cast %scan3A_539#0 : vector<16xf32> to vector<1x16xf32>
      tpu.vector_store %arg12[%swap3A_541, %swap3A_542], %swap3A_545 {strides = array<i32>} : memref<128x64xf32, #tpu.memory_space<vmem>>, vector<1x16xf32>,
      %swap3A_546 = arith.index_cast %add3A_514 : i32 to index
      %swap3A_547 = arith.constant 16 : index
      %swap3A_548 = tpu.vector_load %arg12[%swap3A_546, %swap3A_547] {strides = array<i32>} : memref<128x64xf32, #tpu.memory_space<vmem>>, vector<1x16xf32>,
      %swap3A_549 = vector.shape_cast %swap3A_548 : vector<1x16xf32> to vector<16xf32>
      %swap3A_550 = vector.shape_cast %scan3A_539#1 : vector<16xf32> to vector<1x16xf32>
      tpu.vector_store %arg12[%swap3A_546, %swap3A_547], %swap3A_550 {strides = array<i32>} : memref<128x64xf32, #tpu.memory_space<vmem>>, vector<1x16xf32>,
      %swap3A_551 = arith.index_cast %add3A_514 : i32 to index
      %swap3A_552 = arith.constant 32 : index
      %swap3A_553 = tpu.vector_load %arg12[%swap3A_551, %swap3A_552] {strides = array<i32>} : memref<128x64xf32, #tpu.memory_space<vmem>>, vector<1x16xf32>,
      %swap3A_554 = vector.shape_cast %swap3A_553 : vector<1x16xf32> to vector<16xf32>
      %swap3A_555 = vector.shape_cast %scan3A_539#2 : vector<16xf32> to vector<1x16xf32>
      tpu.vector_store %arg12[%swap3A_551, %swap3A_552], %swap3A_555 {strides = array<i32>} : memref<128x64xf32, #tpu.memory_space<vmem>>, vector<1x16xf32>,
      %swap3A_556 = arith.index_cast %add3A_514 : i32 to index
      %swap3A_557 = arith.constant 48 : index
      %swap3A_558 = tpu.vector_load %arg12[%swap3A_556, %swap3A_557] {strides = array<i32>} : memref<128x64xf32, #tpu.memory_space<vmem>>, vector<1x16xf32>,
      %swap3A_559 = vector.shape_cast %swap3A_558 : vector<1x16xf32> to vector<16xf32>
      %swap3A_560 = vector.shape_cast %scan3A_539#3 : vector<16xf32> to vector<1x16xf32>
      tpu.vector_store %arg12[%swap3A_556, %swap3A_557], %swap3A_560 {strides = array<i32>} : memref<128x64xf32, #tpu.memory_space<vmem>>, vector<1x16xf32>,
      %add3A_561 = arith.constant 5 : i32
      %add3A_562 = arith.addi %mul3A_230, %add3A_561 : i32
      %add3A_563 = arith.constant 6 : i32
      %add3A_564 = arith.addi %add3A_562, %add3A_563 : i32
      %lt3A_565 = arith.constant 128 : i32
      %lt3A_566 = arith.cmpi slt, %add3A_564, %lt3A_565 : i32
      %convert_element_type3A_567 = arith.extui %lt3A_566 : i1 to i32
      %cond3A_568 = arith.constant 0 : i32
      %cond3A_569 = arith.cmpi ne, %convert_element_type3A_567, %cond3A_568 : i32
      scf.if %cond3A_569 {
        %add3A_570 = arith.constant 5 : i32
        %add3A_571 = arith.addi %mul3A_230, %add3A_570 : i32
        %add3A_572 = arith.constant 6 : i32
        %add3A_573 = arith.addi %add3A_571, %add3A_572 : i32
        %dma_start3A_574 = arith.constant 0 : i32
        %dma_start3A_575 = arith.constant 0 : i32
        %dma_start3A_576 = tpu.memref_slice %arg11[%dma_start3A_574, %dma_start3A_575] : memref<200x64xf32, #tpu.memory_space<vmem>> -> memref<128x64xf32, #tpu.memory_space<vmem>>
        %dma_start3A_577 = arith.constant 0 : i32
        %dma_start3A_578 = tpu.memref_slice %arg5[%add3A_573, %dma_start3A_577] : memref<128x200xi32, #tpu.memory_space<vmem>> -> memref<1x128xi32, #tpu.memory_space<vmem>>
        %dma_start3A_579 = tpu.memref_squeeze %dma_start3A_578 : memref<1x128xi32, #tpu.memory_space<vmem>> -> memref<128xi32, #tpu.memory_space<vmem>>
        %dma_start3A_580 = arith.constant 0 : i32
        %dma_start3A_581 = arith.constant 0 : i32
        %dma_start3A_582 = tpu.memref_slice %arg3[%dma_start3A_580, %dma_start3A_581] : memref<1000000x64xf32, #tpu.memory_space<hbm>> -> memref<1000000x64xf32, #tpu.memory_space<hbm>>
        tpu.enqueue_indirect_dma source(%dma_start3A_582 : memref<1000000x64xf32, #tpu.memory_space<hbm>>) target(%dma_start3A_576 : memref<128x64xf32, #tpu.memory_space<vmem>>) offsets(%dma_start3A_579 : memref<128xi32, #tpu.memory_space<vmem>>) semaphore(%arg18 : memref<!tpu.dma_semaphore, #tpu.memory_space<semaphore_mem>>)
        %dma_start3A_583 = arith.constant 128 : i32
        %dma_start3A_584 = arith.constant 0 : i32
        %dma_start3A_585 = tpu.memref_slice %arg11[%dma_start3A_583, %dma_start3A_584] : memref<200x64xf32, #tpu.memory_space<vmem>> -> memref<72x64xf32, #tpu.memory_space<vmem>>
        %dma_start3A_586 = arith.constant 128 : i32
        %dma_start3A_587 = tpu.memref_slice %arg5[%add3A_573, %dma_start3A_586] : memref<128x200xi32, #tpu.memory_space<vmem>> -> memref<1x72xi32, #tpu.memory_space<vmem>>
        %dma_start3A_588 = tpu.memref_squeeze %dma_start3A_587 : memref<1x72xi32, #tpu.memory_space<vmem>> -> memref<72xi32, #tpu.memory_space<vmem>>
        %dma_start3A_589 = arith.constant 0 : i32
        %dma_start3A_590 = arith.constant 0 : i32
        %dma_start3A_591 = tpu.memref_slice %arg3[%dma_start3A_589, %dma_start3A_590] : memref<1000000x64xf32, #tpu.memory_space<hbm>> -> memref<1000000x64xf32, #tpu.memory_space<hbm>>
        tpu.enqueue_indirect_dma source(%dma_start3A_591 : memref<1000000x64xf32, #tpu.memory_space<hbm>>) target(%dma_start3A_585 : memref<72x64xf32, #tpu.memory_space<vmem>>) offsets(%dma_start3A_588 : memref<72xi32, #tpu.memory_space<vmem>>) semaphore(%arg18 : memref<!tpu.dma_semaphore, #tpu.memory_space<semaphore_mem>>)
      } else {
      }
    }
    %scan3A_126 = arith.constant 21 : i32
    %dma_wait3A = arith.constant 126 : i32
    %dma_wait3A_127 = arith.constant 0 : i32
    %dma_wait3A_128 = arith.constant 0 : i32
    %dma_wait3A_129 = tpu.memref_slice %arg6[%dma_wait3A_127, %dma_wait3A_128] : memref<200x64xf32, #tpu.memory_space<vmem>> -> memref<128x64xf32, #tpu.memory_space<vmem>>
    %dma_wait3A_130 = arith.constant 0 : i32
    %dma_wait3A_131 = tpu.memref_slice %arg5[%dma_wait3A, %dma_wait3A_130] : memref<128x200xi32, #tpu.memory_space<vmem>> -> memref<1x128xi32, #tpu.memory_space<vmem>>
    %dma_wait3A_132 = tpu.memref_squeeze %dma_wait3A_131 : memref<1x128xi32, #tpu.memory_space<vmem>> -> memref<128xi32, #tpu.memory_space<vmem>>
    %dma_wait3A_133 = arith.constant 0 : i32
    %dma_wait3A_134 = arith.constant 0 : i32
    %dma_wait3A_135 = tpu.memref_slice %arg3[%dma_wait3A_133, %dma_wait3A_134] : memref<1000000x64xf32, #tpu.memory_space<hbm>> -> memref<1000000x64xf32, #tpu.memory_space<hbm>>
    tpu.wait_indirect_dma semaphore(%arg13 : memref<!tpu.dma_semaphore, #tpu.memory_space<semaphore_mem>>) src(%dma_wait3A_135 : memref<1000000x64xf32, #tpu.memory_space<hbm>>) dst(%dma_wait3A_129 : memref<128x64xf32, #tpu.memory_space<vmem>>)
    %dma_wait3A_136 = arith.constant 126 : i32
    %dma_wait3A_137 = arith.constant 128 : i32
    %dma_wait3A_138 = arith.constant 0 : i32
    %dma_wait3A_139 = tpu.memref_slice %arg6[%dma_wait3A_137, %dma_wait3A_138] : memref<200x64xf32, #tpu.memory_space<vmem>> -> memref<72x64xf32, #tpu.memory_space<vmem>>
    %dma_wait3A_140 = arith.constant 128 : i32
    %dma_wait3A_141 = tpu.memref_slice %arg5[%dma_wait3A_136, %dma_wait3A_140] : memref<128x200xi32, #tpu.memory_space<vmem>> -> memref<1x72xi32, #tpu.memory_space<vmem>>
    %dma_wait3A_142 = tpu.memref_squeeze %dma_wait3A_141 : memref<1x72xi32, #tpu.memory_space<vmem>> -> memref<72xi32, #tpu.memory_space<vmem>>
    %dma_wait3A_143 = arith.constant 0 : i32
    %dma_wait3A_144 = arith.constant 0 : i32
    %dma_wait3A_145 = tpu.memref_slice %arg3[%dma_wait3A_143, %dma_wait3A_144] : memref<1000000x64xf32, #tpu.memory_space<hbm>> -> memref<1000000x64xf32, #tpu.memory_space<hbm>>
    tpu.wait_indirect_dma semaphore(%arg13 : memref<!tpu.dma_semaphore, #tpu.memory_space<semaphore_mem>>) src(%dma_wait3A_145 : memref<1000000x64xf32, #tpu.memory_space<hbm>>) dst(%dma_wait3A_139 : memref<72x64xf32, #tpu.memory_space<vmem>>)
    %broadcast_in_dim3A = arith.constant 0.000000e+00 : f32
    %broadcast_in_dim3A_146 = vector.broadcast %broadcast_in_dim3A : f32 to vector<16xf32>
    %scan3A_147 = arith.constant 0 : i32
    %scan3A_148 = arith.constant 200 : i32
    %scan3A_149 = arith.addi %scan3A_147, %scan3A_148 : i32
    %scan3A_150 = arith.constant 1 : i32
    %scan3A_151:4 = scf.for %scan3A_228 = %scan3A_147 to %scan3A_149 step %scan3A_150 iter_args(%scan3A_229 = %broadcast_in_dim3A_146, %scan3A_230 = %broadcast_in_dim3A_146, %scan3A_231 = %broadcast_in_dim3A_146, %scan3A_232 = %broadcast_in_dim3A_146) -> (vector<16xf32>, vector<16xf32>, vector<16xf32>, vector<16xf32>)  : i32 {
      %get3A = arith.index_cast %scan3A_228 : i32 to index
      %get3A_233 = arith.constant 0 : index
      %get3A_234 = tpu.vector_load %arg6[%get3A, %get3A_233] {strides = array<i32>} : memref<200x64xf32, #tpu.memory_space<vmem>>, vector<1x16xf32>,
      %get3A_235 = vector.shape_cast %get3A_234 : vector<1x16xf32> to vector<16xf32>
      %add3A_236 = arith.addf %scan3A_229, %get3A_235 : vector<16xf32>
      %get3A_237 = arith.index_cast %scan3A_228 : i32 to index
      %get3A_238 = arith.constant 16 : index
      %get3A_239 = tpu.vector_load %arg6[%get3A_237, %get3A_238] {strides = array<i32>} : memref<200x64xf32, #tpu.memory_space<vmem>>, vector<1x16xf32>,
      %get3A_240 = vector.shape_cast %get3A_239 : vector<1x16xf32> to vector<16xf32>
      %add3A_241 = arith.addf %scan3A_230, %get3A_240 : vector<16xf32>
      %get3A_242 = arith.index_cast %scan3A_228 : i32 to index
      %get3A_243 = arith.constant 32 : index
      %get3A_244 = tpu.vector_load %arg6[%get3A_242, %get3A_243] {strides = array<i32>} : memref<200x64xf32, #tpu.memory_space<vmem>>, vector<1x16xf32>,
      %get3A_245 = vector.shape_cast %get3A_244 : vector<1x16xf32> to vector<16xf32>
      %add3A_246 = arith.addf %scan3A_231, %get3A_245 : vector<16xf32>
      %get3A_247 = arith.index_cast %scan3A_228 : i32 to index
      %get3A_248 = arith.constant 48 : index
      %get3A_249 = tpu.vector_load %arg6[%get3A_247, %get3A_248] {strides = array<i32>} : memref<200x64xf32, #tpu.memory_space<vmem>>, vector<1x16xf32>,
      %get3A_250 = vector.shape_cast %get3A_249 : vector<1x16xf32> to vector<16xf32>
      %add3A_251 = arith.addf %scan3A_232, %get3A_250 : vector<16xf32>
      scf.yield %add3A_236, %add3A_241, %add3A_246, %add3A_251 : vector<16xf32>, vector<16xf32>, vector<16xf32>, vector<16xf32>
    }
    %scan3A_152 = arith.constant 200 : i32
    %swap3A = arith.constant 126 : i32
    %swap3A_153 = arith.index_cast %swap3A : i32 to index
    %swap3A_154 = arith.constant 0 : index
    %swap3A_155 = tpu.vector_load %arg12[%swap3A_153, %swap3A_154] {strides = array<i32>} : memref<128x64xf32, #tpu.memory_space<vmem>>, vector<1x16xf32>,
    %swap3A_156 = vector.shape_cast %swap3A_155 : vector<1x16xf32> to vector<16xf32>
    %swap3A_157 = vector.shape_cast %scan3A_151#0 : vector<16xf32> to vector<1x16xf32>
    tpu.vector_store %arg12[%swap3A_153, %swap3A_154], %swap3A_157 {strides = array<i32>} : memref<128x64xf32, #tpu.memory_space<vmem>>, vector<1x16xf32>,
    %swap3A_158 = arith.constant 126 : i32
    %swap3A_159 = arith.index_cast %swap3A_158 : i32 to index
    %swap3A_160 = arith.constant 16 : index
    %swap3A_161 = tpu.vector_load %arg12[%swap3A_159, %swap3A_160] {strides = array<i32>} : memref<128x64xf32, #tpu.memory_space<vmem>>, vector<1x16xf32>,
    %swap3A_162 = vector.shape_cast %swap3A_161 : vector<1x16xf32> to vector<16xf32>
    %swap3A_163 = vector.shape_cast %scan3A_151#1 : vector<16xf32> to vector<1x16xf32>
    tpu.vector_store %arg12[%swap3A_159, %swap3A_160], %swap3A_163 {strides = array<i32>} : memref<128x64xf32, #tpu.memory_space<vmem>>, vector<1x16xf32>,
    %swap3A_164 = arith.constant 126 : i32
    %swap3A_165 = arith.index_cast %swap3A_164 : i32 to index
    %swap3A_166 = arith.constant 32 : index
    %swap3A_167 = tpu.vector_load %arg12[%swap3A_165, %swap3A_166] {strides = array<i32>} : memref<128x64xf32, #tpu.memory_space<vmem>>, vector<1x16xf32>,
    %swap3A_168 = vector.shape_cast %swap3A_167 : vector<1x16xf32> to vector<16xf32>
    %swap3A_169 = vector.shape_cast %scan3A_151#2 : vector<16xf32> to vector<1x16xf32>
    tpu.vector_store %arg12[%swap3A_165, %swap3A_166], %swap3A_169 {strides = array<i32>} : memref<128x64xf32, #tpu.memory_space<vmem>>, vector<1x16xf32>,
    %swap3A_170 = arith.constant 126 : i32
    %swap3A_171 = arith.index_cast %swap3A_170 : i32 to index
    %swap3A_172 = arith.constant 48 : index
    %swap3A_173 = tpu.vector_load %arg12[%swap3A_171, %swap3A_172] {strides = array<i32>} : memref<128x64xf32, #tpu.memory_space<vmem>>, vector<1x16xf32>,
    %swap3A_174 = vector.shape_cast %swap3A_173 : vector<1x16xf32> to vector<16xf32>
    %swap3A_175 = vector.shape_cast %scan3A_151#3 : vector<16xf32> to vector<1x16xf32>
    tpu.vector_store %arg12[%swap3A_171, %swap3A_172], %swap3A_175 {strides = array<i32>} : memref<128x64xf32, #tpu.memory_space<vmem>>, vector<1x16xf32>,
    %dma_wait3A_176 = arith.constant 127 : i32
    %dma_wait3A_177 = arith.constant 0 : i32
    %dma_wait3A_178 = arith.constant 0 : i32
    %dma_wait3A_179 = tpu.memref_slice %arg7[%dma_wait3A_177, %dma_wait3A_178] : memref<200x64xf32, #tpu.memory_space<vmem>> -> memref<128x64xf32, #tpu.memory_space<vmem>>
    %dma_wait3A_180 = arith.constant 0 : i32
    %dma_wait3A_181 = tpu.memref_slice %arg5[%dma_wait3A_176, %dma_wait3A_180] : memref<128x200xi32, #tpu.memory_space<vmem>> -> memref<1x128xi32, #tpu.memory_space<vmem>>
    %dma_wait3A_182 = tpu.memref_squeeze %dma_wait3A_181 : memref<1x128xi32, #tpu.memory_space<vmem>> -> memref<128xi32, #tpu.memory_space<vmem>>
    %dma_wait3A_183 = arith.constant 0 : i32
    %dma_wait3A_184 = arith.constant 0 : i32
    %dma_wait3A_185 = tpu.memref_slice %arg3[%dma_wait3A_183, %dma_wait3A_184] : memref<1000000x64xf32, #tpu.memory_space<hbm>> -> memref<1000000x64xf32, #tpu.memory_space<hbm>>
    tpu.wait_indirect_dma semaphore(%arg14 : memref<!tpu.dma_semaphore, #tpu.memory_space<semaphore_mem>>) src(%dma_wait3A_185 : memref<1000000x64xf32, #tpu.memory_space<hbm>>) dst(%dma_wait3A_179 : memref<128x64xf32, #tpu.memory_space<vmem>>)
    %dma_wait3A_186 = arith.constant 127 : i32
    %dma_wait3A_187 = arith.constant 128 : i32
    %dma_wait3A_188 = arith.constant 0 : i32
    %dma_wait3A_189 = tpu.memref_slice %arg7[%dma_wait3A_187, %dma_wait3A_188] : memref<200x64xf32, #tpu.memory_space<vmem>> -> memref<72x64xf32, #tpu.memory_space<vmem>>
    %dma_wait3A_190 = arith.constant 128 : i32
    %dma_wait3A_191 = tpu.memref_slice %arg5[%dma_wait3A_186, %dma_wait3A_190] : memref<128x200xi32, #tpu.memory_space<vmem>> -> memref<1x72xi32, #tpu.memory_space<vmem>>
    %dma_wait3A_192 = tpu.memref_squeeze %dma_wait3A_191 : memref<1x72xi32, #tpu.memory_space<vmem>> -> memref<72xi32, #tpu.memory_space<vmem>>
    %dma_wait3A_193 = arith.constant 0 : i32
    %dma_wait3A_194 = arith.constant 0 : i32
    %dma_wait3A_195 = tpu.memref_slice %arg3[%dma_wait3A_193, %dma_wait3A_194] : memref<1000000x64xf32, #tpu.memory_space<hbm>> -> memref<1000000x64xf32, #tpu.memory_space<hbm>>
    tpu.wait_indirect_dma semaphore(%arg14 : memref<!tpu.dma_semaphore, #tpu.memory_space<semaphore_mem>>) src(%dma_wait3A_195 : memref<1000000x64xf32, #tpu.memory_space<hbm>>) dst(%dma_wait3A_189 : memref<72x64xf32, #tpu.memory_space<vmem>>)
    %broadcast_in_dim3A_196 = arith.constant 0.000000e+00 : f32
    %broadcast_in_dim3A_197 = vector.broadcast %broadcast_in_dim3A_196 : f32 to vector<16xf32>
    %scan3A_198 = arith.constant 0 : i32
    %scan3A_199 = arith.constant 200 : i32
    %scan3A_200 = arith.addi %scan3A_198, %scan3A_199 : i32
    %scan3A_201 = arith.constant 1 : i32
    %scan3A_202:4 = scf.for %scan3A_228 = %scan3A_198 to %scan3A_200 step %scan3A_201 iter_args(%scan3A_229 = %broadcast_in_dim3A_197, %scan3A_230 = %broadcast_in_dim3A_197, %scan3A_231 = %broadcast_in_dim3A_197, %scan3A_232 = %broadcast_in_dim3A_197) -> (vector<16xf32>, vector<16xf32>, vector<16xf32>, vector<16xf32>)  : i32 {
      %get3A = arith.index_cast %scan3A_228 : i32 to index
      %get3A_233 = arith.constant 0 : index
      %get3A_234 = tpu.vector_load %arg7[%get3A, %get3A_233] {strides = array<i32>} : memref<200x64xf32, #tpu.memory_space<vmem>>, vector<1x16xf32>,
      %get3A_235 = vector.shape_cast %get3A_234 : vector<1x16xf32> to vector<16xf32>
      %add3A_236 = arith.addf %scan3A_229, %get3A_235 : vector<16xf32>
      %get3A_237 = arith.index_cast %scan3A_228 : i32 to index
      %get3A_238 = arith.constant 16 : index
      %get3A_239 = tpu.vector_load %arg7[%get3A_237, %get3A_238] {strides = array<i32>} : memref<200x64xf32, #tpu.memory_space<vmem>>, vector<1x16xf32>,
      %get3A_240 = vector.shape_cast %get3A_239 : vector<1x16xf32> to vector<16xf32>
      %add3A_241 = arith.addf %scan3A_230, %get3A_240 : vector<16xf32>
      %get3A_242 = arith.index_cast %scan3A_228 : i32 to index
      %get3A_243 = arith.constant 32 : index
      %get3A_244 = tpu.vector_load %arg7[%get3A_242, %get3A_243] {strides = array<i32>} : memref<200x64xf32, #tpu.memory_space<vmem>>, vector<1x16xf32>,
      %get3A_245 = vector.shape_cast %get3A_244 : vector<1x16xf32> to vector<16xf32>
      %add3A_246 = arith.addf %scan3A_231, %get3A_245 : vector<16xf32>
      %get3A_247 = arith.index_cast %scan3A_228 : i32 to index
      %get3A_248 = arith.constant 48 : index
      %get3A_249 = tpu.vector_load %arg7[%get3A_247, %get3A_248] {strides = array<i32>} : memref<200x64xf32, #tpu.memory_space<vmem>>, vector<1x16xf32>,
      %get3A_250 = vector.shape_cast %get3A_249 : vector<1x16xf32> to vector<16xf32>
      %add3A_251 = arith.addf %scan3A_232, %get3A_250 : vector<16xf32>
      scf.yield %add3A_236, %add3A_241, %add3A_246, %add3A_251 : vector<16xf32>, vector<16xf32>, vector<16xf32>, vector<16xf32>
    }
    %scan3A_203 = arith.constant 200 : i32
    %swap3A_204 = arith.constant 127 : i32
    %swap3A_205 = arith.index_cast %swap3A_204 : i32 to index
    %swap3A_206 = arith.constant 0 : index
    %swap3A_207 = tpu.vector_load %arg12[%swap3A_205, %swap3A_206] {strides = array<i32>} : memref<128x64xf32, #tpu.memory_space<vmem>>, vector<1x16xf32>,
    %swap3A_208 = vector.shape_cast %swap3A_207 : vector<1x16xf32> to vector<16xf32>
    %swap3A_209 = vector.shape_cast %scan3A_202#0 : vector<16xf32> to vector<1x16xf32>
    tpu.vector_store %arg12[%swap3A_205, %swap3A_206], %swap3A_209 {strides = array<i32>} : memref<128x64xf32, #tpu.memory_space<vmem>>, vector<1x16xf32>,
    %swap3A_210 = arith.constant 127 : i32
    %swap3A_211 = arith.index_cast %swap3A_210 : i32 to index
    %swap3A_212 = arith.constant 16 : index
    %swap3A_213 = tpu.vector_load %arg12[%swap3A_211, %swap3A_212] {strides = array<i32>} : memref<128x64xf32, #tpu.memory_space<vmem>>, vector<1x16xf32>,
    %swap3A_214 = vector.shape_cast %swap3A_213 : vector<1x16xf32> to vector<16xf32>
    %swap3A_215 = vector.shape_cast %scan3A_202#1 : vector<16xf32> to vector<1x16xf32>
    tpu.vector_store %arg12[%swap3A_211, %swap3A_212], %swap3A_215 {strides = array<i32>} : memref<128x64xf32, #tpu.memory_space<vmem>>, vector<1x16xf32>,
    %swap3A_216 = arith.constant 127 : i32
    %swap3A_217 = arith.index_cast %swap3A_216 : i32 to index
    %swap3A_218 = arith.constant 32 : index
    %swap3A_219 = tpu.vector_load %arg12[%swap3A_217, %swap3A_218] {strides = array<i32>} : memref<128x64xf32, #tpu.memory_space<vmem>>, vector<1x16xf32>,
    %swap3A_220 = vector.shape_cast %swap3A_219 : vector<1x16xf32> to vector<16xf32>
    %swap3A_221 = vector.shape_cast %scan3A_202#2 : vector<16xf32> to vector<1x16xf32>
    tpu.vector_store %arg12[%swap3A_217, %swap3A_218], %swap3A_221 {strides = array<i32>} : memref<128x64xf32, #tpu.memory_space<vmem>>, vector<1x16xf32>,
    %swap3A_222 = arith.constant 127 : i32
    %swap3A_223 = arith.index_cast %swap3A_222 : i32 to index
    %swap3A_224 = arith.constant 48 : index
    %swap3A_225 = tpu.vector_load %arg12[%swap3A_223, %swap3A_224] {strides = array<i32>} : memref<128x64xf32, #tpu.memory_space<vmem>>, vector<1x16xf32>,
    %swap3A_226 = vector.shape_cast %swap3A_225 : vector<1x16xf32> to vector<16xf32>
    %swap3A_227 = vector.shape_cast %scan3A_202#3 : vector<16xf32> to vector<1x16xf32>
    tpu.vector_store %arg12[%swap3A_223, %swap3A_224], %swap3A_227 {strides = array<i32>} : memref<128x64xf32, #tpu.memory_space<vmem>>, vector<1x16xf32>,
    "tpu.region"() ({
      %run_scoped3A = tpu.sem_alloc : memref<!tpu.dma_semaphore, #tpu.memory_space<semaphore_mem>>
      %dma_start3A_228 = arith.constant 0 : i32
      %dma_start3A_229 = tpu.memref_slice %arg4[%mul3A_2, %dma_start3A_228] : memref<4096x64xf32, #tpu.memory_space<hbm>> -> memref<128x64xf32, #tpu.memory_space<hbm>>
      %dma_start3A_230 = arith.constant 0 : i32
      %dma_start3A_231 = tpu.memref_slice %arg4[%mul3A_2, %dma_start3A_230] : memref<4096x64xf32, #tpu.memory_space<hbm>> -> memref<128x64xf32, #tpu.memory_space<hbm>>
      tpu.enqueue_dma source(%arg12 : memref<128x64xf32, #tpu.memory_space<vmem>>) target(%dma_start3A_231 : memref<128x64xf32, #tpu.memory_space<hbm>>) target_semaphore(%run_scoped3A : memref<!tpu.dma_semaphore, #tpu.memory_space<semaphore_mem>>)
      %dma_wait3A_232 = arith.constant 0 : i32
      %dma_wait3A_233 = tpu.memref_slice %arg4[%mul3A_2, %dma_wait3A_232] : memref<4096x64xf32, #tpu.memory_space<hbm>> -> memref<128x64xf32, #tpu.memory_space<hbm>>
      %dma_wait3A_234 = arith.constant 0 : i32
      %dma_wait3A_235 = tpu.memref_slice %arg4[%mul3A_2, %dma_wait3A_234] : memref<4096x64xf32, #tpu.memory_space<hbm>> -> memref<128x64xf32, #tpu.memory_space<hbm>>
      tpu.wait_dma2 semaphore(%run_scoped3A : memref<!tpu.dma_semaphore, #tpu.memory_space<semaphore_mem>>) src(%arg12 : memref<128x64xf32, #tpu.memory_space<vmem>>) dst(%dma_wait3A_235 : memref<128x64xf32, #tpu.memory_space<hbm>>)
      tpu.yield
    }) : () -> ()
    return
  }
}

</mosaic_0001>

<sc_bundles>
// kernel: _sc_pool.3.cloned.1.call-start
scs
__scs_entry_jumppad:
0x0: {  	(pc) =	sbr.rel $0x88, $3  }
0x1: {  	(tag) =	ssettag $0x0;
	lr =	simm.s32 $0x1  }
0x2: {  	[smem:$0x3F9F] =	sst lr;
	_ =	strace $0xD0000000  }
0x3: {  	_ = 	snop  }
0x4: {  	_ = 	snop  }
0x5: {  	_ = 	snop  }
0x6: {  	_ = 	snop  }
0x7: {  	_ = 	snop  }
__scs_overlays_trampoline_lowered:
0x8: {  	[smem:$0x3FAE] =	sst s0  }
0x9: {  	[smem:$0x3FAF] =	sst s1  }
0xa: {  	[smem:$0x3FB0] =	sst s2  }
0xb: {  	[smem:$0x3FB1] =	sst s3  }
0xc: {  	[smem:$0x3FB2] =	sst s4  }
0xd: {  	[smem:$0x3FB3] =	sst s5  }
0xe: {  	[smem:$0x3FB4] =	sst s6  }
0xf: {  	[smem:$0x3FB5] =	sst s7  }
0x10: {  	[smem:$0x3FB6] =	sst s8  }
0x11: {  	[smem:$0x3FB7] =	sst s9;
	s0 =	simm.s32 @!p0 $0x0  }
0x12: {  	s1 =	sld [smem:$0x3F9D];
	s0 =	simm.s32 @p0 $0x1  }
0x13: {  	[smem:$0x3FB8] =	sst s0;
	s0 =	simm.s32 @!p1 $0x0  }
0x14: {  	s2 =	sld [smem:$0x3F9C];
	s0 =	simm.s32 @p1 $0x1  }
0x15: {  	[smem:$0x3FB9] =	sst s0;
	s0 =	simm.s32 @!p2 $0x0  }
0x16: {  	s3 =	sld [smem:$0x3FDB];
	s0 =	simm.s32 @p2 $0x1  }
0x17: {  	s4 =	simm.s32 $0x1BF5;
	[smem:$0x3FBB] =	sst s0  }
0x18: {  	s0 =	sld [smem:$0x3F9E];
	_ =	swait.ge [sflag:s4], $0x0  }
0x19: {  	s7 =	sld [smem:$0x3F9F]  }
0x1a: {  	s8 =	sadd.s32 $0xFFFFE003, lr  }
0x1b: {  	s9 =	sadd.s32 $0xFFFFFEF7, lr;
	s5 =	simm.s32 $0xFFFFFFFF;
	p2 =	slt.u32 s8, $0xFFFFF086  }
0x1c: {  	p1 =	slt.u32 s9, $0xF7A;
	s5 =	simm.s32 @!p2 $0x0  }
0x1d: {  	s5 =	simm.s32 @p1 $0x1;
	p0 =	seq.s32 s7, s2  }
0x1e: {  	s7 =	smul.u32 @!p0 $0xF7A, s2;
	p2 =	seq.s32 @!p0 s5, $0x0  }
0x1f: {  	s9 =	smul.u32 $0xF7A, s1;
	s8 =	simm.s32 @!p0 $0x1BF5;
	p2 =	por !p2, p0  }
0x20: {  	[sflag:s8] =	ssyncset.s32 @!p0 $0xFFFFF086;
	s6 =	sadd.s32 @!p0 s3, s7;
	s7 =	simm.s32 @!p0 $0x108  }
0x21: {  	s3 =	sadd.s32 s3, s9;
	s6 =	sadd.s32 @!p0 $0x88, s6;
	s7 =	simm.s32 @p2 $0x1082  }
0x22: {  	[simem:s7], [sflag:s8] =	dma.local @!p0 [hbm:s6], $0xF7A  }
0x23: {  	s9 =	sor.u32 $0xD0000000, s2;
	s6 =	simm.s32 $0x108;
	_ =	swait.ge @!p0 [sflag:s8], $0x0  }
0x24: {  	s3 =	sadd.s32 $0x88, s3;
	s6 =	simm.s32 @!p1 $0x1082;
	[sflag:s4] =	ssyncset.s32 $0xFFFFF086  }
0x25: {  	[simem:s6], [sflag:s4] =	dma.local [hbm:s3], $0xF7A  }
0x26: {  	[smem:$0x3F9F] =	sst s1;
	(tag) =	ssettag s2;
	_ =	strace s9  }
0x27: {  	s1 =	sld [smem:$0x3FAF]  }
0x28: {  	s2 =	sld [smem:$0x3FB0]  }
0x29: {  	s4 =	sld [smem:$0x3FB2]  }
0x2a: {  	p0 =	seq.s32 s5, $0x0;
	s5 =	sld [smem:$0x3FB3]  }
0x2b: {  	s6 =	sld [smem:$0x3FB4]  }
0x2c: {  	s7 =	sld [smem:$0x3FB5]  }
0x2d: {  	s3 =	simm.s32 $0x108;
	s8 =	sld [smem:$0x3FB6]  }
0x2e: {  	s3 =	simm.s32 @!p0 $0x1082;
	s9 =	sld [smem:$0x3FB7]  }
0x2f: {  	lr =	sadd.s32 s0, s3;
	s0 =	sld [smem:$0x3FAE]  }
0x30: {  	s3 =	sld [smem:$0x3FB1]  }
0x31: {  	[smem:$0x3FBA] =	sst s10  }
0x32: {  	s10 =	sld [smem:$0x3FB8];
	_ =	sdelay $0x3  }
0x33: {  	p0 =	seq.s32 s10, $0x1;
	s10 =	sld [smem:$0x3FBA];
	_ =	sdelay $0x3  }
0x34: {  	[smem:$0x3FBA] =	sst s10  }
0x35: {  	s10 =	sld [smem:$0x3FB9];
	_ =	sdelay $0x3  }
0x36: {  	p1 =	seq.s32 s10, $0x1;
	s10 =	sld [smem:$0x3FBA];
	_ =	sdelay $0x3  }
0x37: {  	[smem:$0x3FBA] =	sst s10  }
0x38: {  	s10 =	sld [smem:$0x3FBB]  }
0x39: {  	_ = 	snop;
	(pc) =	sbr.ind lr, $3  }
0x3a: {  	_ = 	snop  }
0x3b: {  	_ = 	snop  }
0x3c: {  	p2 =	seq.s32 s10, $0x1;
	s10 =	sld [smem:$0x3FBA]  }
0x3d: {  	_ =	shalt  }
0x3e: {  	_ =	shalt  }
0x3f: {  	_ =	shalt  }
0x40: {  	_ =	shalt  }
0x41: {  	_ =	shalt  }
0x42: {  	_ =	shalt  }
0x43: {  	_ =	shalt  }
0x44: {  	_ =	shalt  }
0x45: {  	_ =	shalt  }
0x46: {  	_ =	shalt  }
0x47: {  	_ =	shalt  }
0x48: {  	_ =	shalt  }
0x49: {  	_ =	shalt  }
0x4a: {  	_ =	shalt  }
0x4b: {  	_ =	shalt  }
0x4c: {  	_ =	shalt  }
0x4d: {  	_ =	shalt  }
0x4e: {  	_ =	shalt  }
0x4f: {  	_ =	shalt  }
0x50: {  	_ =	shalt  }
0x51: {  	_ =	shalt  }
0x52: {  	_ =	shalt  }
0x53: {  	_ =	shalt  }
0x54: {  	_ =	shalt  }
0x55: {  	_ =	shalt  }
0x56: {  	_ =	shalt  }
0x57: {  	_ =	shalt  }
0x58: {  	_ =	shalt  }
0x59: {  	_ =	shalt  }
0x5a: {  	_ =	shalt  }
0x5b: {  	_ =	shalt  }
0x5c: {  	_ =	shalt  }
0x5d: {  	_ =	shalt  }
0x5e: {  	_ =	shalt  }
0x5f: {  	_ =	shalt  }
0x60: {  	_ =	shalt  }
0x61: {  	_ =	shalt  }
0x62: {  	_ =	shalt  }
0x63: {  	_ =	shalt  }
0x64: {  	_ =	shalt  }
0x65: {  	_ =	shalt  }
0x66: {  	_ =	shalt  }
0x67: {  	_ =	shalt  }
0x68: {  	_ =	shalt  }
0x69: {  	_ =	shalt  }
0x6a: {  	_ =	shalt  }
0x6b: {  	_ =	shalt  }
0x6c: {  	_ =	shalt  }
0x6d: {  	_ =	shalt  }
0x6e: {  	_ =	shalt  }
0x6f: {  	_ =	shalt  }
0x70: {  	_ =	shalt  }
0x71: {  	_ =	shalt  }
0x72: {  	_ =	shalt  }
0x73: {  	_ =	shalt  }
0x74: {  	_ =	shalt  }
0x75: {  	_ =	shalt  }
0x76: {  	_ =	shalt  }
0x77: {  	_ =	shalt  }
0x78: {  	_ =	shalt  }
0x79: {  	_ =	shalt  }
0x7a: {  	_ =	shalt  }
0x7b: {  	_ =	shalt  }
0x7c: {  	_ =	shalt  }
0x7d: {  	_ =	shalt  }
0x7e: {  	_ =	shalt  }
0x7f: {  	_ =	shalt  }
0x80: {  	_ =	shalt  }
0x81: {  	_ =	shalt  }
0x82: {  	_ =	shalt  }
0x83: {  	_ =	shalt  }
0x84: {  	_ =	shalt  }
0x85: {  	_ =	shalt  }
0x86: {  	_ =	shalt  }
0x87: {  	_ =	shalt  }
.Lfunc_end0:
.L_simem_size_0:
called_computation_lowered:
.L_overlay_start_0:
0x88: {  	s2 =	sld [smem:$0x3FD9]  }
0x89: {  	s3 =	sld [smem:$0x3FFE];
	_ =	sdelay $0x1  }
0x8a: {  	s1 =	srdreg.scid  }
0x8b: {  	s0 =	sand.u32 $0x1, s1  }
0x8c: {  	s17 =	sshll.u32 s0, $0xA;
	s2 =	sadd.s32 s3, s2  }
0x8d: {  	s2 =	sadd.s32 s2, s17  }
0x8e: {  	[smem:$0x3FC6] =	sst s2  }
0x8f: {  	_ = 	snop  }
0x90: {  	s2 =	sld [smem:$0x3FD0];
	(tm) =	ssettm $0x1  }
0x91: {  	s18 =	sld [smem:$0x3FFB];
	_ =	sdelay $0x3  }
0x92: {  	_ =	strace s18  }
0x93: {  	s3 =	sld [smem:$0x3FFC];
	_ =	sdelay $0x3  }
0x94: {  	_ =	strace s3  }
0x95: {  	s3 =	sld [smem:$0x3FFD];
	_ =	sdelay $0x3  }
0x96: {  	_ =	strace s3  }
0x97: {  	_ =	strace $0x8FFFFFFF  }
0x98: {  	s19 =	sld [smem:$0x3FDB];
	_ =	sdelay $0x1  }
0x99: {  	s4 =	simm.s32 $_scs_section_size  }
0x9a: {  	s5 =	simm.s32 $_size__tile_overlayer_lowered;
	s6 =	simm.s32 $_tile_overlayer_lowered  }
0x9b: {  	s22 =	simm.s32 $0x1BFF;
	s21 =	sshll.u32 s6, $0x1;
	s3 =	sadd.s32 s4, s19  }
0x9c: {  	s7 =	simm.s32 $0x0;
	s20 =	sshll.u32 s5, $0x1;
	s5 =	sadd.s32 s21, s3  }
0x9d: {  	[timem:s7], [sflag:s22] =	dma.local [hbm:s5], s20  }
0x9e: {  	_ =	swait.ge [sflag:s22], s20  }
0x9f: {  	s4 =	ssub.s32 $0x0, s20;
	[sflag:s22] =	ssyncset.done $0x0  }
0xa0: {  	[sflag:s22] =	ssyncadd.s32 s4;
	_ =	sdelay $0x1  }
0xa1: {  	s23 =	simm.s32 $0x1B8B  }
0xa2: {  	_ =	swait.ge [sflag:s23], $0x1  }
0xa3: {  	[sflag:s23] =	ssyncset.done $0x0  }
0xa4: {  	s25 =	simm.s32 $0x1B8E;
	s24 =	sld [smem:$0x3FFE];
	[sflag:s23] =	ssyncadd.s32 $0xFFFFFFFF  }
0xa5: {  	s26 =	simm.s32 $execute0_lowered;
	[smem:$0x3FD2] =	sst s25  }
0xa6: {  	s5 =	sshll.u32 s26, $0x1;
	_ =	strace $0x80000046;
	[dreg:$0x1] =	wrdreg $0xFFFFFFFF  }
0xa7: {  	s28 =	simm.s32 $_size_execute0_lowered;
	s3 =	sadd.s32 s3, s5;
	[dreg:$0x0] =	wrdreg $0x0  }
0xa8: {  	s5 =	sshll.u32 s28, $0x1;
	[dreg:$0x2] =	wrdreg s3  }
0xa9: {  	[dreg:$0x3] =	wrdreg s5  }
0xaa: {  	[dreg:$0x4] =	wrdreg $0xC0  }
0xab: {  	_ =	task [dreg:s7], $0x5FFFF  }
0xac: {  	[dreg:$0x1] =	wrdreg $0xFFFFFFFF  }
0xad: {  	[dreg:$0x0] =	wrdreg $0x60  }
0xae: {  	[dreg:$0x2] =	wrdreg s24  }
0xaf: {  	[dreg:$0x3] =	wrdreg s2  }
0xb0: {  	[dreg:$0x4] =	wrdreg $0x9  }
0xb1: {  	_ =	task.clear_ibuf [dreg:s7], $0x5FFFF;
	_ =	strace $0x90000046  }
0xb2: {  	s29 =	simm.s32 $0x9;
	_ =	strace $0x80000048  }
0xb3: {  	_ =	swait.ge [sflag:s29], $0x1  }
0xb4: {  	[sflag:s29] =	ssyncadd.s32 $0xFFFFFFFF  }
0xb5: {  	_ =	strace $0x90000048  }
0xb6: {  	_ =	sfence  }
0xb7: {  	s30 =	sld [smem:$0x0];
	_ =	sdelay $0x2  }
0xb8: {  	s31 =	sshll.u32 s1, $0xD;
	s1 =	sshrl.u32 s1, $0x2  }
0xb9: {  	s3 =	sand.u32 $0x4000, s31;
	s1 =	sadd.s32 s1, s30  }
0xba: {  	s0 =	sor.u32 s3, s0;
	s1 =	sshll.u32 s1, $0x11  }
0xbb: {  	s0 =	sor.u32 s1, s0  }
0xbc: {  	s0 =	sadd.s32 $0x8F2B, s0  }
0xbd: {  	[sflag:s0] =	ssyncadd.remote.s32 $0x1  }
0xbe: {  	_ =	sfence.sel $0xFFFF  }
0xbf: {  	[dreg:$0x0] =	wrdreg $0xFFFFFFFF;
	(pc) =	sbr.abs _section_cstart, $3  }
0xc0: {  	[dreg:$0x1] =	wrdreg $0xFFFFFFFF  }
0xc1: {  	_ =	task.clear_ibuf [dreg:s7], $0x2FFFF;
	_ =	strace $0x9FFFFFFF  }
0xc2: {  	(tm) =	ssettm $0x7FFFFFFF  }
0xc3: {  	_ =	shalt  }
tec
execute0_lowered:
.L_overlay_start_1:
0x0: {  	(tag) =	ssettag $0x1  }
0x1: {  	s0 =	srdreg.scid;
	s1 =	rddreg [dreg:$0x0]  }
0x2: {  	s2 =	stileid.u32;
	s5 =	rddreg [dreg:$0x1];
	s8 =	simm.s32 $0x80  }
0x3: {  	s9 =	simm.s32 $0x6400;
	s10 =	simm.s32 $0x48;
	s11 =	simm.s32 $0x8400  }
0x4: {  	s13 =	simm.s32 $0x9600;
	s15 =	simm.s32 $0xB600;
	s28 =	simm.s32 $0x14C00  }
0x5: {  	s29 =	simm.s32 $0x3E8;
	s30 =	simm.s32 $0x15E00;
	s31 =	simm.s32 $0x468  }
0x6: {  	s12 =	simm.s32 $0x2;
	s14 =	simm.s32 $0x3;
	s16 =	simm.s32 $0x4  }
0x7: {  	s17 =	simm.s32 $0x5;
	s18 =	simm.s32 $0x6;
	s0 =	sand.u32 $0x1, s0  }
0x8: {  	s19 =	simm.s32 $0x19000;
	s2 =	sshll.u32 s2, $0x8;
	s3 =	sshll.u32 s0, $0x7  }
0x9: {  	s20 =	simm.s32 $0x0;
	s0 =	ssub.s32 $0x2, s0;
	s4 =	sor.u32 s3, s2  }
0xa: {  	s2 =	simm.s32 $0x0;
	s7 =	sshrl.u32 s0, $0x1;
	s3 =	smul.u32 $0x19, s4  }
0xb: {  	[smem:$0x7FF] =	sst s2;
	s0 =	ssub.s32 s0, s7;
	s26 =	sshll.u32 s4, $0x3  }
0xc: {  	s7 =	simm.s32 $0x7;
	_ =	strace $0x80000047;
	s5 =	sadd.s32 s5, s26  }
0xd: {  	s6 =	sadd.s32 s3, s1;
	s3 =	sadd.s32 $0xF42A00, s1;
	s1 =	simm.s32 $0x17E00  }
0xe: {  	s4 =	sadd.s32 $0x600, s6;
	s6 =	smax.u32 s0, $0x1;
	s0 =	simm.s32 $0x1  }
.LBB2_1:
0xf: {  	[tilespmem:s2], [sflag:$0x7] =	stream.linear.gather [hbm4b:s4+s2], $0x6400, $0x38;
	[tilespmem:$0x1B000] =	vst v63  }
0x10: {  	_ =	swait.ge [sflag:s7], $0x6400  }
0x11: {  	[sflag:s7] =	ssyncset.done $0x0  }
0x12: {  	[sflag:s7] =	ssyncadd.s32 $0xFFFF9C00  }
0x13: {  	[tilespmem:s9], [sflag:$0x1] =	stream.indirect.gather [hbm4b:s3+s8], $0x40, s2, s8, $0xb8;
	[tilespmem:$0x1B000] =	vst v63  }
0x14: {  	_ = 	snop  }
0x15: {  	[tilespmem:s11], [sflag:$0x1] =	stream.indirect.gather [hbm4b:s3+s10], $0x40, s8, s10, $0xb8;
	[tilespmem:$0x1B000] =	vst v63  }
0x16: {  	s21 =	simm.s32 $0xC8  }
0x17: {  	[tilespmem:s13], [sflag:$0x2] =	stream.indirect.gather [hbm4b:s3+s8], $0x40, s21, s8, $0xb8;
	[tilespmem:$0x1B000] =	vst v63  }
0x18: {  	s25 =	simm.s32 $0x148  }
0x19: {  	[tilespmem:s15], [sflag:$0x2] =	stream.indirect.gather [hbm4b:s3+s10], $0x40, s25, s10, $0xb8;
	[tilespmem:$0x1B000] =	vst v63  }
0x1a: {  	s26 =	simm.s32 $0x190;
	s22 =	simm.s32 $0xC800  }
0x1b: {  	[tilespmem:s22], [sflag:$0x3] =	stream.indirect.gather [hbm4b:s3+s8], $0x40, s26, s8, $0xb8;
	[tilespmem:$0x1B000] =	vst v63  }
0x1c: {  	s23 =	simm.s32 $0x210;
	s24 =	simm.s32 $0xE800  }
0x1d: {  	[tilespmem:s24], [sflag:$0x3] =	stream.indirect.gather [hbm4b:s3+s10], $0x40, s23, s10, $0xb8;
	[tilespmem:$0x1B000] =	vst v63  }
0x1e: {  	s25 =	simm.s32 $0x258;
	s26 =	simm.s32 $0xFA00  }
0x1f: {  	[tilespmem:s26], [sflag:$0x4] =	stream.indirect.gather [hbm4b:s3+s8], $0x40, s25, s8, $0xb8;
	[tilespmem:$0x1B000] =	vst v63  }
0x20: {  	s22 =	simm.s32 $0x2D8;
	s23 =	simm.s32 $0x11A00  }
0x21: {  	[tilespmem:s23], [sflag:$0x4] =	stream.indirect.gather [hbm4b:s3+s10], $0x40, s22, s10, $0xb8;
	[tilespmem:$0x1B000] =	vst v63  }
0x22: {  	s24 =	simm.s32 $0x320;
	s25 =	simm.s32 $0x12C00  }
0x23: {  	[tilespmem:s25], [sflag:$0x5] =	stream.indirect.gather [hbm4b:s3+s8], $0x40, s24, s8, $0xb8;
	[tilespmem:$0x1B000] =	vst v63  }
0x24: {  	s26 =	simm.s32 $0x3A0  }
0x25: {  	[tilespmem:s28], [sflag:$0x5] =	stream.indirect.gather [hbm4b:s3+s10], $0x40, s26, s10, $0xb8;
	[tilespmem:$0x1B000] =	vst v63  }
0x26: {  	_ = 	snop  }
0x27: {  	[tilespmem:s30], [sflag:$0x6] =	stream.indirect.gather [hbm4b:s3+s8], $0x40, s29, s8, $0xb8;
	[tilespmem:$0x1B000] =	vst v63  }
0x28: {  	s21 =	simm.s32 $0x0  }
0x29: {  	[tilespmem:s1], [sflag:$0x6] =	stream.indirect.gather [hbm4b:s3+s10], $0x40, s31, s10, $0xb8;
	[tilespmem:$0x1B000] =	vst v63  }
.LBB2_2:
0x2a: {  	_ =	swait.ge [sflag:s0], $0x2000  }
0x2b: {  	[sflag:s0] =	ssyncset.done $0x0  }
0x2c: {  	[sflag:s0] =	ssyncadd.s32 $0xFFFFE000  }
0x2d: {  	_ =	swait.ge [sflag:s0], $0x1200  }
0x2e: {  	[sflag:s0] =	ssyncset.done $0x0  }
0x2f: {  	s23 =	simm.s32 $0x0;
	[sflag:s0] =	ssyncadd.s32 $0xFFFFEE00  }
0x30: {  	v1 =	vld [tilespmem:s23+$0x6430]  }
0x31: {  	v2 =	vld [tilespmem:s23+$0x6400]  }
0x32: {  	v0 =	vimm.f32 $0.0e+00;
	v3 =	vld [tilespmem:s23+$0x6410]  }
0x33: {  	s22 =	simm.s32 $0x100;
	v6 =	vimm.f32 $0.0e+00;
	v7 =	vimm.f32 $0.0e+00;
	v5 =	vimm.f32 $0.0e+00;
	v4 =	vld [tilespmem:s23+$0x6420]  }
.LBB2_3:
0x34: {  	p0 =	sne.s32 s22, $0xC700  }
.Ltmp0:
0x35: {  	s23 =	sshra.s32 s22, $0x2;
	s22 =	sadd.s32 $0x100, s22;
	v0 =	vadd.f32 v1, v0;
	(pc) =	sbr.rel @p0 .LBB2_3-.Ltmp0, $4  }
0x36: {  	v1 =	vld [tilespmem:s23+$0x6430];
	v6 =	vadd.f32 v2, v6  }
0x37: {  	v2 =	vld [tilespmem:s23+$0x6400];
	v7 =	vadd.f32 v3, v7  }
0x38: {  	v3 =	vld [tilespmem:s23+$0x6410];
	v5 =	vadd.f32 v4, v5  }
0x39: {  	v4 =	vld [tilespmem:s23+$0x6420]  }
0x3a: {  	s22 =	smul.u32 $0x600, s21  }
0x3b: {  	v0 =	vadd.f32 v1, v0  }
0x3c: {  	v2 =	vadd.f32 v2, v6;
	s22 =	sshra.s32 s22, $0x2  }
0x3d: {  	s23 =	smul.u32 $0x12C0, s21;
	v3 =	vadd.f32 v3, v7;
	[tilespmem:s22+$0x19030] =	vst v0  }
0x3e: {  	v4 =	vadd.f32 v4, v5;
	[tilespmem:s22+$0x19000] =	vst v2  }
0x3f: {  	s23 =	sshra.s32 s23, $0x2;
	[tilespmem:s22+$0x19010] =	vst v3  }
0x40: {  	s24 =	sadd.s32 $0x4B0, s23;
	[tilespmem:s22+$0x19020] =	vst v4  }
0x41: {  	[tilespmem:s9], [sflag:$0x1] =	stream.indirect.gather [hbm4b:s3+s8], $0x40, s24, s8, $0xb8;
	[tilespmem:$0x1B000] =	vst v63  }
0x42: {  	s26 =	sadd.s32 $0x530, s23  }
0x43: {  	[tilespmem:s11], [sflag:$0x1] =	stream.indirect.gather [hbm4b:s3+s10], $0x40, s26, s10, $0xb8;
	[tilespmem:$0x1B000] =	vst v63  }
0x44: {  	_ =	swait.ge [sflag:s12], $0x2000  }
0x45: {  	[sflag:s12] =	ssyncset.done $0x0  }
0x46: {  	[sflag:s12] =	ssyncadd.s32 $0xFFFFE000  }
0x47: {  	_ =	swait.ge [sflag:s12], $0x1200  }
0x48: {  	[sflag:s12] =	ssyncset.done $0x0  }
0x49: {  	s25 =	simm.s32 $0x0;
	[sflag:s12] =	ssyncadd.s32 $0xFFFFEE00  }
0x4a: {  	v1 =	vld [tilespmem:s25+$0x9630]  }
0x4b: {  	v2 =	vld [tilespmem:s25+$0x9600]  }
0x4c: {  	v6 =	vimm.f32 $0.0e+00;
	v3 =	vld [tilespmem:s25+$0x9610]  }
0x4d: {  	v0 =	vimm.f32 $0.0e+00;
	v7 =	vimm.f32 $0.0e+00;
	v5 =	vimm.f32 $0.0e+00;
	s24 =	simm.s32 $0x100;
	v4 =	vld [tilespmem:s25+$0x9620]  }
.LBB2_5:
0x4e: {  	p0 =	sne.s32 s24, $0xC700  }
.Ltmp1:
0x4f: {  	s25 =	sshra.s32 s24, $0x2;
	s24 =	sadd.s32 $0x100, s24;
	v0 =	vadd.f32 v1, v0;
	(pc) =	sbr.rel @p0 .LBB2_5-.Ltmp1, $4  }
0x50: {  	v1 =	vld [tilespmem:s25+$0x9630];
	v5 =	vadd.f32 v2, v5  }
0x51: {  	v2 =	vld [tilespmem:s25+$0x9600];
	v6 =	vadd.f32 v3, v6  }
0x52: {  	v3 =	vld [tilespmem:s25+$0x9610];
	v7 =	vadd.f32 v4, v7  }
0x53: {  	v4 =	vld [tilespmem:s25+$0x9620]  }
0x54: {  	_ = 	snop  }
0x55: {  	v0 =	vadd.f32 v1, v0  }
0x56: {  	v2 =	vadd.f32 v2, v5  }
0x57: {  	v3 =	vadd.f32 v3, v6;
	[tilespmem:s22+$0x19070] =	vst v0  }
0x58: {  	v4 =	vadd.f32 v4, v7;
	[tilespmem:s22+$0x19040] =	vst v2  }
0x59: {  	[tilespmem:s22+$0x19050] =	vst v3  }
0x5a: {  	s24 =	sadd.s32 $0x578, s23;
	[tilespmem:s22+$0x19060] =	vst v4  }
0x5b: {  	[tilespmem:s13], [sflag:$0x2] =	stream.indirect.gather [hbm4b:s3+s8], $0x40, s24, s8, $0xb8;
	[tilespmem:$0x1B000] =	vst v63  }
0x5c: {  	s26 =	sadd.s32 $0x5F8, s23  }
0x5d: {  	[tilespmem:s15], [sflag:$0x2] =	stream.indirect.gather [hbm4b:s3+s10], $0x40, s26, s10, $0xb8;
	[tilespmem:$0x1B000] =	vst v63  }
0x5e: {  	_ =	swait.ge [sflag:s14], $0x2000  }
0x5f: {  	[sflag:s14] =	ssyncset.done $0x0  }
0x60: {  	[sflag:s14] =	ssyncadd.s32 $0xFFFFE000  }
0x61: {  	_ =	swait.ge [sflag:s14], $0x1200  }
0x62: {  	[sflag:s14] =	ssyncset.done $0x0  }
0x63: {  	s25 =	simm.s32 $0x0;
	[sflag:s14] =	ssyncadd.s32 $0xFFFFEE00  }
0x64: {  	v1 =	vld [tilespmem:s25+$0xC830]  }
0x65: {  	v2 =	vld [tilespmem:s25+$0xC800]  }
0x66: {  	v5 =	vimm.f32 $0.0e+00;
	v3 =	vld [tilespmem:s25+$0xC810]  }
0x67: {  	v0 =	vimm.f32 $0.0e+00;
	v6 =	vimm.f32 $0.0e+00;
	v7 =	vimm.f32 $0.0e+00;
	s24 =	simm.s32 $0x100;
	v4 =	vld [tilespmem:s25+$0xC820]  }
.LBB2_7:
0x68: {  	p0 =	sne.s32 s24, $0xC700  }
.Ltmp2:
0x69: {  	s25 =	sshra.s32 s24, $0x2;
	s24 =	sadd.s32 $0x100, s24;
	v0 =	vadd.f32 v1, v0;
	(pc) =	sbr.rel @p0 .LBB2_7-.Ltmp2, $4  }
0x6a: {  	v1 =	vld [tilespmem:s25+$0xC830];
	v5 =	vadd.f32 v2, v5  }
0x6b: {  	v2 =	vld [tilespmem:s25+$0xC800];
	v6 =	vadd.f32 v3, v6  }
0x6c: {  	v3 =	vld [tilespmem:s25+$0xC810];
	v7 =	vadd.f32 v4, v7  }
0x6d: {  	v4 =	vld [tilespmem:s25+$0xC820]  }
0x6e: {  	_ = 	snop  }
0x6f: {  	v0 =	vadd.f32 v1, v0  }
0x70: {  	v2 =	vadd.f32 v2, v5  }
0x71: {  	v3 =	vadd.f32 v3, v6;
	[tilespmem:s22+$0x190B0] =	vst v0  }
0x72: {  	v4 =	vadd.f32 v4, v7;
	[tilespmem:s22+$0x19080] =	vst v2  }
0x73: {  	p0 =	seq.s32 s21, $0x14;
	[tilespmem:s22+$0x19090] =	vst v3  }
0x74: {  	s24 =	sadd.s32 @!p0 $0x640, s23;
	s25 =	simm.s32 @!p0 $0x80;
	s26 =	simm.s32 @!p0 $0xC800;
	[tilespmem:s22+$0x190A0] =	vst v4  }
0x75: {  	[tilespmem:s26], [sflag:$0x3] =	stream.indirect.gather @!p0 [hbm4b:s3+s25], $0x40, s24, s25, $0xb8;
	[tilespmem:$0x1B000] =	vst v63  }
0x76: {  	s24 =	sadd.s32 @!p0 $0x6C0, s23;
	s25 =	simm.s32 @!p0 $0x48;
	s26 =	simm.s32 @!p0 $0xE800  }
0x77: {  	[tilespmem:s26], [sflag:$0x3] =	stream.indirect.gather @!p0 [hbm4b:s3+s25], $0x40, s24, s25, $0xb8;
	[tilespmem:$0x1B000] =	vst v63  }
0x78: {  	_ =	swait.ge [sflag:s16], $0x2000  }
0x79: {  	[sflag:s16] =	ssyncset.done $0x0  }
0x7a: {  	[sflag:s16] =	ssyncadd.s32 $0xFFFFE000  }
0x7b: {  	_ =	swait.ge [sflag:s16], $0x1200  }
0x7c: {  	[sflag:s16] =	ssyncset.done $0x0  }
0x7d: {  	s26 =	simm.s32 $0x0;
	[sflag:s16] =	ssyncadd.s32 $0xFFFFEE00  }
0x7e: {  	v1 =	vld [tilespmem:s26+$0xFA30]  }
0x7f: {  	v2 =	vld [tilespmem:s26+$0xFA00]  }
0x80: {  	v5 =	vimm.f32 $0.0e+00;
	v3 =	vld [tilespmem:s26+$0xFA10]  }
0x81: {  	v0 =	vimm.f32 $0.0e+00;
	v6 =	vimm.f32 $0.0e+00;
	v7 =	vimm.f32 $0.0e+00;
	s24 =	simm.s32 $0x100;
	v4 =	vld [tilespmem:s26+$0xFA20]  }
.LBB2_9:
0x82: {  	p1 =	sne.s32 s24, $0xC700  }
.Ltmp3:
0x83: {  	s25 =	sshra.s32 s24, $0x2;
	s24 =	sadd.s32 $0x100, s24;
	v0 =	vadd.f32 v1, v0;
	(pc) =	sbr.rel @p1 .LBB2_9-.Ltmp3, $4  }
0x84: {  	v1 =	vld [tilespmem:s25+$0xFA30];
	v5 =	vadd.f32 v2, v5  }
0x85: {  	v2 =	vld [tilespmem:s25+$0xFA00];
	v6 =	vadd.f32 v3, v6  }
0x86: {  	v3 =	vld [tilespmem:s25+$0xFA10];
	v7 =	vadd.f32 v4, v7  }
0x87: {  	v4 =	vld [tilespmem:s25+$0xFA20]  }
0x88: {  	_ = 	snop  }
0x89: {  	v0 =	vadd.f32 v1, v0  }
0x8a: {  	v2 =	vadd.f32 v2, v5  }
0x8b: {  	v3 =	vadd.f32 v3, v6;
	[tilespmem:s22+$0x190F0] =	vst v0  }
0x8c: {  	v4 =	vadd.f32 v4, v7;
	[tilespmem:s22+$0x190C0] =	vst v2  }
0x8d: {  	[tilespmem:s22+$0x190D0] =	vst v3  }
0x8e: {  	s24 =	sadd.s32 @!p0 $0x708, s23;
	s25 =	simm.s32 @!p0 $0x80;
	s26 =	simm.s32 @!p0 $0xFA00;
	[tilespmem:s22+$0x190E0] =	vst v4  }
0x8f: {  	[tilespmem:s26], [sflag:$0x4] =	stream.indirect.gather @!p0 [hbm4b:s3+s25], $0x40, s24, s25, $0xb8;
	[tilespmem:$0x1B000] =	vst v63  }
0x90: {  	s24 =	sadd.s32 @!p0 $0x788, s23;
	s25 =	simm.s32 @!p0 $0x48;
	s26 =	simm.s32 @!p0 $0x11A00  }
0x91: {  	[tilespmem:s26], [sflag:$0x4] =	stream.indirect.gather @!p0 [hbm4b:s3+s25], $0x40, s24, s25, $0xb8;
	[tilespmem:$0x1B000] =	vst v63  }
0x92: {  	_ =	swait.ge [sflag:s17], $0x2000  }
0x93: {  	[sflag:s17] =	ssyncset.done $0x0  }
0x94: {  	[sflag:s17] =	ssyncadd.s32 $0xFFFFE000  }
0x95: {  	_ =	swait.ge [sflag:s17], $0x1200  }
0x96: {  	[sflag:s17] =	ssyncset.done $0x0  }
0x97: {  	s26 =	simm.s32 $0x0;
	[sflag:s17] =	ssyncadd.s32 $0xFFFFEE00  }
0x98: {  	v1 =	vld [tilespmem:s26+$0x12C30]  }
0x99: {  	v2 =	vld [tilespmem:s26+$0x12C00]  }
0x9a: {  	v5 =	vimm.f32 $0.0e+00;
	v3 =	vld [tilespmem:s26+$0x12C10]  }
0x9b: {  	v0 =	vimm.f32 $0.0e+00;
	v6 =	vimm.f32 $0.0e+00;
	v7 =	vimm.f32 $0.0e+00;
	s24 =	simm.s32 $0x100;
	v4 =	vld [tilespmem:s26+$0x12C20]  }
.LBB2_11:
0x9c: {  	p1 =	sne.s32 s24, $0xC700  }
.Ltmp4:
0x9d: {  	s25 =	sshra.s32 s24, $0x2;
	s24 =	sadd.s32 $0x100, s24;
	v0 =	vadd.f32 v1, v0;
	(pc) =	sbr.rel @p1 .LBB2_11-.Ltmp4, $4  }
0x9e: {  	v1 =	vld [tilespmem:s25+$0x12C30];
	v5 =	vadd.f32 v2, v5  }
0x9f: {  	v2 =	vld [tilespmem:s25+$0x12C00];
	v6 =	vadd.f32 v3, v6  }
0xa0: {  	v3 =	vld [tilespmem:s25+$0x12C10];
	v7 =	vadd.f32 v4, v7  }
0xa1: {  	v4 =	vld [tilespmem:s25+$0x12C20]  }
0xa2: {  	_ = 	snop  }
0xa3: {  	v0 =	vadd.f32 v1, v0  }
0xa4: {  	v2 =	vadd.f32 v2, v5  }
0xa5: {  	v3 =	vadd.f32 v3, v6;
	[tilespmem:s22+$0x19130] =	vst v0  }
0xa6: {  	v4 =	vadd.f32 v4, v7;
	[tilespmem:s22+$0x19100] =	vst v2  }
0xa7: {  	[tilespmem:s22+$0x19110] =	vst v3  }
0xa8: {  	s24 =	sadd.s32 @!p0 $0x7D0, s23;
	s25 =	simm.s32 @!p0 $0x80;
	s26 =	simm.s32 @!p0 $0x12C00;
	[tilespmem:s22+$0x19120] =	vst v4  }
0xa9: {  	[tilespmem:s26], [sflag:$0x5] =	stream.indirect.gather @!p0 [hbm4b:s3+s25], $0x40, s24, s25, $0xb8;
	[tilespmem:$0x1B000] =	vst v63  }
0xaa: {  	s24 =	sadd.s32 @!p0 $0x850, s23;
	s25 =	simm.s32 @!p0 $0x48;
	s26 =	simm.s32 @!p0 $0x14C00  }
0xab: {  	[tilespmem:s26], [sflag:$0x5] =	stream.indirect.gather @!p0 [hbm4b:s3+s25], $0x40, s24, s25, $0xb8;
	[tilespmem:$0x1B000] =	vst v63  }
0xac: {  	_ =	swait.ge [sflag:s18], $0x2000  }
0xad: {  	[sflag:s18] =	ssyncset.done $0x0  }
0xae: {  	[sflag:s18] =	ssyncadd.s32 $0xFFFFE000  }
0xaf: {  	_ =	swait.ge [sflag:s18], $0x1200  }
0xb0: {  	[sflag:s18] =	ssyncset.done $0x0  }
0xb1: {  	s26 =	simm.s32 $0x0;
	[sflag:s18] =	ssyncadd.s32 $0xFFFFEE00  }
0xb2: {  	v1 =	vld [tilespmem:s26+$0x15E30]  }
0xb3: {  	v2 =	vld [tilespmem:s26+$0x15E00]  }
0xb4: {  	v5 =	vimm.f32 $0.0e+00;
	v3 =	vld [tilespmem:s26+$0x15E10]  }
0xb5: {  	v0 =	vimm.f32 $0.0e+00;
	v6 =	vimm.f32 $0.0e+00;
	v7 =	vimm.f32 $0.0e+00;
	s24 =	simm.s32 $0x100;
	v4 =	vld [tilespmem:s26+$0x15E20]  }
.LBB2_13:
0xb6: {  	p1 =	sne.s32 s24, $0xC700  }
.Ltmp5:
0xb7: {  	s25 =	sshra.s32 s24, $0x2;
	s24 =	sadd.s32 $0x100, s24;
	v0 =	vadd.f32 v1, v0;
	(pc) =	sbr.rel @p1 .LBB2_13-.Ltmp5, $4  }
0xb8: {  	v1 =	vld [tilespmem:s25+$0x15E30];
	v5 =	vadd.f32 v2, v5  }
0xb9: {  	v2 =	vld [tilespmem:s25+$0x15E00];
	v6 =	vadd.f32 v3, v6  }
0xba: {  	v3 =	vld [tilespmem:s25+$0x15E10];
	v7 =	vadd.f32 v4, v7  }
0xbb: {  	v4 =	vld [tilespmem:s25+$0x15E20]  }
0xbc: {  	_ = 	snop  }
0xbd: {  	v0 =	vadd.f32 v1, v0  }
.Ltmp6:
0xbe: {  	v2 =	vadd.f32 v2, v5;
	(pc) =	sbr.rel @p0 .LBB2_16-.Ltmp6, $4  }
0xbf: {  	v3 =	vadd.f32 v3, v6;
	[tilespmem:s22+$0x19170] =	vst v0  }
0xc0: {  	v4 =	vadd.f32 v4, v7;
	[tilespmem:s22+$0x19140] =	vst v2  }
0xc1: {  	[tilespmem:s22+$0x19150] =	vst v3  }
0xc2: {  	[tilespmem:s22+$0x19160] =	vst v4  }
.Ltmp7:
0xc3: {  	(pc) =	sbr.rel .LBB2_2-.Ltmp7, $4  }
0xc4: {  	s22 =	sadd.s32 $0x898, s23  }
0xc5: {  	[tilespmem:s30], [sflag:$0x6] =	stream.indirect.gather [hbm4b:s3+s8], $0x40, s22, s8, $0xb8;
	[tilespmem:$0x1B000] =	vst v63  }
0xc6: {  	s26 =	sadd.s32 $0x918, s23;
	s21 =	sadd.s32 $0x1, s21  }
0xc7: {  	[tilespmem:s1], [sflag:$0x6] =	stream.indirect.gather [hbm4b:s3+s10], $0x40, s26, s10, $0xb8;
	[tilespmem:$0x1B000] =	vst v63  }
.LBB2_16:
0xc8: {  	_ =	swait.ge [sflag:s0], $0x2000  }
0xc9: {  	[sflag:s0] =	ssyncset.done $0x0  }
0xca: {  	[sflag:s0] =	ssyncadd.s32 $0xFFFFE000  }
0xcb: {  	_ =	swait.ge [sflag:s0], $0x1200  }
0xcc: {  	[sflag:s0] =	ssyncset.done $0x0  }
0xcd: {  	s22 =	simm.s32 $0x0;
	[sflag:s0] =	ssyncadd.s32 $0xFFFFEE00  }
0xce: {  	v1 =	vld [tilespmem:s22+$0x6430]  }
0xcf: {  	v2 =	vld [tilespmem:s22+$0x6400]  }
0xd0: {  	v0 =	vimm.f32 $0.0e+00;
	v3 =	vld [tilespmem:s22+$0x6410]  }
0xd1: {  	s21 =	simm.s32 $0x100;
	v5 =	vimm.f32 $0.0e+00;
	v6 =	vimm.f32 $0.0e+00;
	v7 =	vimm.f32 $0.0e+00;
	v4 =	vld [tilespmem:s22+$0x6420]  }
.LBB2_17:
0xd2: {  	p0 =	sne.s32 s21, $0xC700  }
.Ltmp8:
0xd3: {  	s22 =	sshra.s32 s21, $0x2;
	s21 =	sadd.s32 $0x100, s21;
	v0 =	vadd.f32 v1, v0;
	(pc) =	sbr.rel @p0 .LBB2_17-.Ltmp8, $4  }
0xd4: {  	v1 =	vld [tilespmem:s22+$0x6430];
	v5 =	vadd.f32 v2, v5  }
0xd5: {  	v2 =	vld [tilespmem:s22+$0x6400];
	v6 =	vadd.f32 v3, v6  }
0xd6: {  	v3 =	vld [tilespmem:s22+$0x6410];
	v7 =	vadd.f32 v4, v7  }
0xd7: {  	v4 =	vld [tilespmem:s22+$0x6420]  }
0xd8: {  	_ = 	snop  }
0xd9: {  	v0 =	vadd.f32 v1, v0  }
0xda: {  	v2 =	vadd.f32 v2, v5  }
0xdb: {  	v3 =	vadd.f32 v3, v6;
	[tilespmem:$0x1AFB0] =	vst v0  }
0xdc: {  	v4 =	vadd.f32 v4, v7;
	[tilespmem:$0x1AF80] =	vst v2  }
0xdd: {  	[tilespmem:$0x1AF90] =	vst v3  }
0xde: {  	[tilespmem:$0x1AFA0] =	vst v4  }
0xdf: {  	_ =	swait.ge [sflag:s12], $0x2000  }
0xe0: {  	[sflag:s12] =	ssyncset.done $0x0  }
0xe1: {  	[sflag:s12] =	ssyncadd.s32 $0xFFFFE000  }
0xe2: {  	_ =	swait.ge [sflag:s12], $0x1200  }
0xe3: {  	[sflag:s12] =	ssyncset.done $0x0  }
0xe4: {  	s22 =	simm.s32 $0x0;
	[sflag:s12] =	ssyncadd.s32 $0xFFFFEE00  }
0xe5: {  	v1 =	vld [tilespmem:s22+$0x9630]  }
0xe6: {  	v2 =	vld [tilespmem:s22+$0x9600]  }
0xe7: {  	v5 =	vimm.f32 $0.0e+00;
	v3 =	vld [tilespmem:s22+$0x9610]  }
0xe8: {  	s21 =	simm.s32 $0x100;
	v0 =	vimm.f32 $0.0e+00;
	v6 =	vimm.f32 $0.0e+00;
	v7 =	vimm.f32 $0.0e+00;
	v4 =	vld [tilespmem:s22+$0x9620]  }
.LBB2_19:
0xe9: {  	p0 =	sne.s32 s21, $0xC700  }
.Ltmp9:
0xea: {  	s22 =	sshra.s32 s21, $0x2;
	s21 =	sadd.s32 $0x100, s21;
	v0 =	vadd.f32 v1, v0;
	(pc) =	sbr.rel @p0 .LBB2_19-.Ltmp9, $4  }
0xeb: {  	v1 =	vld [tilespmem:s22+$0x9630];
	v5 =	vadd.f32 v2, v5  }
0xec: {  	v2 =	vld [tilespmem:s22+$0x9600];
	v6 =	vadd.f32 v3, v6  }
0xed: {  	v3 =	vld [tilespmem:s22+$0x9610];
	v7 =	vadd.f32 v4, v7  }
0xee: {  	v4 =	vld [tilespmem:s22+$0x9620]  }
0xef: {  	_ = 	snop  }
0xf0: {  	v0 =	vadd.f32 v1, v0  }
0xf1: {  	v2 =	vadd.f32 v2, v5  }
0xf2: {  	v3 =	vadd.f32 v3, v6;
	[tilespmem:$0x1AFF0] =	vst v0  }
0xf3: {  	s20 =	sadd.s32 $0x1, s20;
	v4 =	vadd.f32 v4, v7;
	[tilespmem:$0x1AFC0] =	vst v2  }
0xf4: {  	p0 =	sne.s32 s20, s6;
	[tilespmem:$0x1AFD0] =	vst v3  }
.Ltmp10:
0xf5: {  	[tilespmem:$0x1AFE0] =	vst v4;
	(pc) =	sbr.rel @p0 .LBB2_1-.Ltmp10, $4  }
0xf6: {  	[hbm4b:s5+s2] =	stream.linear.scatter [tilespmem:s19], [sflag:$0x7], $0x2000, $0x38;
	[tilespmem:$0x1B000] =	vst v63  }
0xf7: {  	_ =	swait.ge [sflag:s7], $0x2000  }
0xf8: {  	[sflag:s7] =	ssyncset.done $0x0  }
0xf9: {  	[sflag:s7] =	ssyncadd.s32 $0xFFFFE000  }
0xfa: {  	_ =	sfence.sel $0x180000  }
0xfb: {  	[bflag:$0x0] =	sbarrier.arrive $0xFFFF  }
0xfc: {  	_ =	strace $0x90000047  }
0xfd: {  	s0 =	stileid.u32;
	[bflag:$0x2] =	sbarrier.arrive $0xFFFF  }
0xfe: {  	p0 =	sne.s32 s0, $0x0;
	s0 =	rddreg [dreg:$0x2]  }
0xff: {  	s0 =	sadd.s32 @!p0 $0x100000, s0  }
0x100: {  	[sflag:s0] =	ssyncadd.tile.s32 @!p0 $0x1;
	_ =	shalt  }
.Lfunc_end2:
_tile_overlayer_lowered:
.L_overlay_start_2:
0x101: {  	(tag) =	ssettag $0x2  }
0x102: {  	s0 =	rddreg [dreg:$0x0];
	s2 =	stileid.u32  }
0x103: {  	s1 =	rddreg [dreg:$0x1];
	p0 =	sne.s32 s2, $0x0  }
0x104: {  	s3 =	rddreg [dreg:$0x2];
	[bflag:$0x3] =	sbarrier.arrive $0xFFFF;
	s2 =	simm.s32 @!p0 $0x1C07  }
0x105: {  	[timem:s3], [sflag:s2] =	dma.local @!p0 [hbm:s0], s1  }
0x106: {  	s0 =	simm.s32 @!p0 $0x7  }
0x107: {  	_ =	swait.ge @!p0 [sflag:s0], s1  }
0x108: {  	s1 =	ssub.s32 @!p0 $0x0, s1;
	[sflag:s0] =	ssyncset.done @!p0 $0x0  }
0x109: {  	[sflag:s0] =	ssyncadd.s32 @!p0 s1  }
0x10a: {  	[bflag:$0x3] =	sbarrier.arrive $0xFFFF  }
0x10b: {  	_ =	shalt  }

</sc_bundles>
